<compile_context>
chip_gen: v7x
topology: tpu7x:2x2x1
jax: 0.10.2.dev20260603
libtpu: 0.0.44.dev20260713+nightly
codegen_flags: <defaults>
</compile_context>

<pallas_src>
import functools
import jax
import jax.numpy as jnp
from jax import lax
from jax.experimental import pallas as pl
from jax.experimental.pallas import tpu as pltpu
from jax.experimental.pallas import tpu_sc as plsc

N = 1_000_000
N_THR = 19
N_COLS = 21
CH = 400
NCHUNK = N // CH
NG = CH // 16
NW = 32
NPAIR = (NCHUNK + 2 * NW - 1) // (2 * NW)

_mesh = plsc.VectorSubcoreMesh(core_axis_name="c", subcore_axis_name="s")

_GDN = lax.GatherDimensionNumbers(
    offset_dims=(), collapsed_slice_dims=(0,), start_index_map=(0,)
)


def _take16(vec, j):
    idx = jnp.full((16, 1), j, jnp.int32) if isinstance(j, int) else j
    return lax.gather(vec, idx, _GDN, slice_sizes=(1,),
                      mode=lax.GatherScatterMode.PROMISE_IN_BOUNDS)


@functools.partial(
    pl.kernel,
    mesh=_mesh,
    out_type=jax.ShapeDtypeStruct((N, N_COLS), jnp.int32),
    scratch_types=[
        pltpu.VMEM((CH, N_COLS), jnp.int32),
        pltpu.VMEM((CH, N_COLS), jnp.int32),
        pltpu.VMEM((CH,), jnp.float32),
        pltpu.VMEM((CH,), jnp.float32),
        pltpu.VMEM((32,), jnp.float32),
        pltpu.SemaphoreType.DMA,
        pltpu.SemaphoreType.DMA,
        pltpu.SemaphoreType.DMA,
        pltpu.SemaphoreType.DMA,
    ],
)
def _sc_kernel(f_hbm, t_hbm, out_hbm,
               stage_a, stage_b, fb0, fb1, tvm,
               sem_oa, sem_ob, sem_f0, sem_f1):
    wid = lax.axis_index("s") * 2 + lax.axis_index("c")
    lanes = lax.iota(jnp.int32, 16)
    lanes_p5 = lanes + 5
    one16 = jnp.ones((16,), jnp.int32)
    z16 = jnp.zeros((16,), jnp.int32)

    pltpu.sync_copy(t_hbm, tvm.at[pl.ds(0, N_THR)])
    tv0 = tvm[pl.ds(0, 16)]
    tv1 = tvm[pl.ds(16, 16)]
    tsplat = [
        _take16(tv0 if j < 16 else tv1, j % 16)
        for j in range(N_THR)
    ]

    def compute(stage, fb):
        def grp(g, c):
            f = fb[pl.ds(16 * g, 16)]
            acc = z16
            for j in range(N_THR):
                acc = acc + jnp.where(f > tsplat[j], one16, z16)
            for r in range(16):
                b = _take16(acc, r)
                row = 16 * g + r
                stage[row, pl.ds(0, 16)] = jnp.where(lanes == b, one16, z16)
                stage[row, pl.ds(5, 16)] = jnp.where(lanes_p5 == b, one16, z16)
            return c

        lax.fori_loop(0, NG, grp, 0)

    def fetch(k, fb, sem):
        pltpu.make_async_copy(f_hbm.at[pl.ds(k * CH, CH)], fb, sem).start()

    def fetch_wait(fb, sem):
        pltpu.make_async_copy(f_hbm.at[pl.ds(0, CH)], fb, sem).wait()

    def out_start(stage, k, sem):
        pltpu.make_async_copy(
            stage,
            out_hbm.at[pl.ds(k * CH, CH), :],
            sem,
        ).start()

    def out_wait(stage, sem):
        pltpu.make_async_copy(
            stage,
            out_hbm.at[pl.ds(0, CH), :],
            sem,
        ).wait()

    fetch(wid, fb0, sem_f0)

    def pair(p, c):
        ka = wid + 64 * p
        kb = ka + 32

        @pl.when(kb < NCHUNK)
        def _():
            fetch(kb, fb1, sem_f1)

        @pl.when(ka < NCHUNK)
        def _():
            fetch_wait(fb0, sem_f0)

        @pl.when((p > 0) & (ka < NCHUNK))
        def _():
            out_wait(stage_a, sem_oa)

        @pl.when(ka < NCHUNK)
        def _():
            compute(stage_a, fb0)
            out_start(stage_a, ka, sem_oa)

        @pl.when(kb + 32 < NCHUNK)
        def _():
            fetch(kb + 32, fb0, sem_f0)

        @pl.when(kb < NCHUNK)
        def _():
            fetch_wait(fb1, sem_f1)

        @pl.when((p > 0) & (kb < NCHUNK))
        def _():
            out_wait(stage_b, sem_ob)

        @pl.when(kb < NCHUNK)
        def _():
            compute(stage_b, fb1)
            out_start(stage_b, kb, sem_ob)

        return c

    lax.fori_loop(0, NPAIR, pair, 0)
    out_wait(stage_a, sem_oa)
    out_wait(stage_b, sem_ob)


def kernel(feature, thresholds):
    return _sc_kernel(feature, thresholds)

# --- scband reference (transcript-rebuilt; emitter-appended) ---
"""Pipeline reference for scband-one-hot-binning-1589137899817 (READ-ONLY COPY).

The authoritative reference and input builder live on the scoring server;
editing this copy changes nothing except your own understanding.
"""

import jax, jax.numpy as jnp
import numpy as np

N = 1000000
THRESHOLDS = np.round(np.linspace(-1.8, 1.8, 19), 6)


def setup_inputs(seed: int = 0) -> dict:
    key = jax.random.key(seed)
    feature = jax.random.normal(key, (N,), dtype=jnp.float32)
    thresholds = jnp.asarray(THRESHOLDS, dtype=jnp.float32)
    return {"feature": feature, "thresholds": thresholds}


def reference(feature, thresholds):
    # Faithful vectorized translation of OneHotBinning.call with identifier=None.
    # Each eval()'d condition string is an interval test on `feature`:
    #   cond_0:  feature <= t0
    #   cond_i: (feature > t_{i-1}) & (feature <= t_i)
    #   cond_L:  feature > t_last
    t = thresholds
    n_thr = t.shape[0]
    conds = [feature <= t[0]]
    for i in range(n_thr - 1):
        conds.append((feature > t[i]) & (feature <= t[i + 1]))
    conds.append(feature > t[n_thr - 1])
    # result_list entries are (cond * 1); np.stack(...).T -> [N, n_bins]
    encoded = jnp.stack(conds, axis=0).T.astype(jnp.int64)
    # extended_feature: zeros [N, n_bins+1] with encoded in [:, :-1]
    extended = jnp.concatenate(
        [encoded, jnp.zeros((feature.shape[0], 1), dtype=jnp.int64)], axis=1
    )
    return extended

if __name__ == "__main__":
    import jax
    _d = setup_inputs()
    print(jax.jit(kernel)(*tuple(_d.values())))

</pallas_src>

<mosaic_0001>
#map = affine_map<(d0, d1) -> (0)>
#map1 = affine_map<(d0, d1) -> (0, 0)>
module attributes {stable_mosaic.version = 14 : i64} {
  func.func @_sc_kernel(%arg0: i32, %arg1: i32, %arg2: memref<1000000xf32, #tpu.memory_space<hbm>>, %arg3: memref<19xf32, #tpu.memory_space<hbm>>, %arg4: memref<1000000x21xi32, #tpu.memory_space<hbm>>, %arg5: memref<400x21xi32, #tpu.memory_space<vmem>>, %arg6: memref<400x21xi32, #tpu.memory_space<vmem>>, %arg7: memref<400xf32, #tpu.memory_space<vmem>>, %arg8: memref<400xf32, #tpu.memory_space<vmem>>, %arg9: memref<32xf32, #tpu.memory_space<vmem>>, %arg10: memref<!tpu.dma_semaphore, #tpu.memory_space<semaphore_mem>>, %arg11: memref<!tpu.dma_semaphore, #tpu.memory_space<semaphore_mem>>, %arg12: memref<!tpu.dma_semaphore, #tpu.memory_space<semaphore_mem>>, %arg13: memref<!tpu.dma_semaphore, #tpu.memory_space<semaphore_mem>>) attributes {dimension_semantics = [#tpu.dimension_semantics<core_parallel>, #tpu.dimension_semantics<subcore_parallel>], iteration_bounds = array<i64: 2, 16>, scalar_prefetch = 0 : i64, scratch_operands = 9 : i64, tpu.core_type = #tpu.core_type<sc_vector_subcore>, window_params = [{transform_indices = #map}, {transform_indices = #map}, {transform_indices = #map1}]} {
    %mul3A = arith.constant 2 : i32
    %mul3A_0 = arith.muli %arg1, %mul3A : i32
    %add3A = arith.addi %mul3A_0, %arg0 : i32
    %iota3A = tpu.iota {dimensions = array<i32: 0>} : vector<16xi32>
    %add3A_1 = arith.constant 5 : i32
    %add3A_2 = vector.broadcast %add3A_1 : i32 to vector<16xi32>
    %add3A_3 = arith.addi %iota3A, %add3A_2 : vector<16xi32>
    %broadcast_in_dim3A = arith.constant 1 : i32
    %broadcast_in_dim3A_4 = vector.broadcast %broadcast_in_dim3A : i32 to vector<16xi32>
    %broadcast_in_dim3A_5 = arith.constant 0 : i32
    %broadcast_in_dim3A_6 = vector.broadcast %broadcast_in_dim3A_5 : i32 to vector<16xi32>
    "tpu.region"() ({
      %run_scoped3A = tpu.sem_alloc : memref<!tpu.dma_semaphore, #tpu.memory_space<semaphore_mem>>
      %dma_start3A_106 = arith.constant 0 : i32
      %dma_start3A_107 = tpu.memref_slice %arg9[%dma_start3A_106] : memref<32xf32, #tpu.memory_space<vmem>> -> memref<19xf32, #tpu.memory_space<vmem>>
      %dma_start3A_108 = arith.constant 0 : i32
      %dma_start3A_109 = tpu.memref_slice %arg9[%dma_start3A_108] : memref<32xf32, #tpu.memory_space<vmem>> -> memref<19xf32, #tpu.memory_space<vmem>>
      tpu.enqueue_dma source(%arg3 : memref<19xf32, #tpu.memory_space<hbm>>) target(%dma_start3A_109 : memref<19xf32, #tpu.memory_space<vmem>>) target_semaphore(%run_scoped3A : memref<!tpu.dma_semaphore, #tpu.memory_space<semaphore_mem>>)
      %dma_wait3A_110 = arith.constant 0 : i32
      %dma_wait3A_111 = tpu.memref_slice %arg9[%dma_wait3A_110] : memref<32xf32, #tpu.memory_space<vmem>> -> memref<19xf32, #tpu.memory_space<vmem>>
      %dma_wait3A_112 = arith.constant 0 : i32
      %dma_wait3A_113 = tpu.memref_slice %arg9[%dma_wait3A_112] : memref<32xf32, #tpu.memory_space<vmem>> -> memref<19xf32, #tpu.memory_space<vmem>>
      tpu.wait_dma2 semaphore(%run_scoped3A : memref<!tpu.dma_semaphore, #tpu.memory_space<semaphore_mem>>) src(%arg3 : memref<19xf32, #tpu.memory_space<hbm>>) dst(%dma_wait3A_113 : memref<19xf32, #tpu.memory_space<vmem>>)
      tpu.yield
    }) : () -> ()
    %get3A = arith.constant 0 : index
    %get3A_7 = tpu.vector_load %arg9[%get3A] {strides = array<i32>} : memref<32xf32, #tpu.memory_space<vmem>>, vector<16xf32>,
    %get3A_8 = vector.shape_cast %get3A_7 : vector<16xf32> to vector<16xf32>
    %get3A_9 = arith.constant 16 : index
    %get3A_10 = tpu.vector_load %arg9[%get3A_9] {strides = array<i32>} : memref<32xf32, #tpu.memory_space<vmem>>, vector<16xf32>,
    %get3A_11 = vector.shape_cast %get3A_10 : vector<16xf32> to vector<16xf32>
    %broadcast_in_dim3A_12 = arith.constant 0 : i32
    %broadcast_in_dim3A_13 = vector.broadcast %broadcast_in_dim3A_12 : i32 to vector<16x1xi32>
    %gather3A = vector.shape_cast %broadcast_in_dim3A_13 : vector<16x1xi32> to vector<16xi32>
    %gather3A_14 = tpu.dynamic_gather %get3A_8[%gather3A] in [0] : vector<16xf32>, vector<16xi32> -> vector<16xf32>
    %broadcast_in_dim3A_15 = arith.constant 1 : i32
    %broadcast_in_dim3A_16 = vector.broadcast %broadcast_in_dim3A_15 : i32 to vector<16x1xi32>
    %gather3A_17 = vector.shape_cast %broadcast_in_dim3A_16 : vector<16x1xi32> to vector<16xi32>
    %gather3A_18 = tpu.dynamic_gather %get3A_8[%gather3A_17] in [0] : vector<16xf32>, vector<16xi32> -> vector<16xf32>
    %broadcast_in_dim3A_19 = arith.constant 2 : i32
    %broadcast_in_dim3A_20 = vector.broadcast %broadcast_in_dim3A_19 : i32 to vector<16x1xi32>
    %gather3A_21 = vector.shape_cast %broadcast_in_dim3A_20 : vector<16x1xi32> to vector<16xi32>
    %gather3A_22 = tpu.dynamic_gather %get3A_8[%gather3A_21] in [0] : vector<16xf32>, vector<16xi32> -> vector<16xf32>
    %broadcast_in_dim3A_23 = arith.constant 3 : i32
    %broadcast_in_dim3A_24 = vector.broadcast %broadcast_in_dim3A_23 : i32 to vector<16x1xi32>
    %gather3A_25 = vector.shape_cast %broadcast_in_dim3A_24 : vector<16x1xi32> to vector<16xi32>
    %gather3A_26 = tpu.dynamic_gather %get3A_8[%gather3A_25] in [0] : vector<16xf32>, vector<16xi32> -> vector<16xf32>
    %broadcast_in_dim3A_27 = arith.constant 4 : i32
    %broadcast_in_dim3A_28 = vector.broadcast %broadcast_in_dim3A_27 : i32 to vector<16x1xi32>
    %gather3A_29 = vector.shape_cast %broadcast_in_dim3A_28 : vector<16x1xi32> to vector<16xi32>
    %gather3A_30 = tpu.dynamic_gather %get3A_8[%gather3A_29] in [0] : vector<16xf32>, vector<16xi32> -> vector<16xf32>
    %broadcast_in_dim3A_31 = arith.constant 5 : i32
    %broadcast_in_dim3A_32 = vector.broadcast %broadcast_in_dim3A_31 : i32 to vector<16x1xi32>
    %gather3A_33 = vector.shape_cast %broadcast_in_dim3A_32 : vector<16x1xi32> to vector<16xi32>
    %gather3A_34 = tpu.dynamic_gather %get3A_8[%gather3A_33] in [0] : vector<16xf32>, vector<16xi32> -> vector<16xf32>
    %broadcast_in_dim3A_35 = arith.constant 6 : i32
    %broadcast_in_dim3A_36 = vector.broadcast %broadcast_in_dim3A_35 : i32 to vector<16x1xi32>
    %gather3A_37 = vector.shape_cast %broadcast_in_dim3A_36 : vector<16x1xi32> to vector<16xi32>
    %gather3A_38 = tpu.dynamic_gather %get3A_8[%gather3A_37] in [0] : vector<16xf32>, vector<16xi32> -> vector<16xf32>
    %broadcast_in_dim3A_39 = arith.constant 7 : i32
    %broadcast_in_dim3A_40 = vector.broadcast %broadcast_in_dim3A_39 : i32 to vector<16x1xi32>
    %gather3A_41 = vector.shape_cast %broadcast_in_dim3A_40 : vector<16x1xi32> to vector<16xi32>
    %gather3A_42 = tpu.dynamic_gather %get3A_8[%gather3A_41] in [0] : vector<16xf32>, vector<16xi32> -> vector<16xf32>
    %broadcast_in_dim3A_43 = arith.constant 8 : i32
    %broadcast_in_dim3A_44 = vector.broadcast %broadcast_in_dim3A_43 : i32 to vector<16x1xi32>
    %gather3A_45 = vector.shape_cast %broadcast_in_dim3A_44 : vector<16x1xi32> to vector<16xi32>
    %gather3A_46 = tpu.dynamic_gather %get3A_8[%gather3A_45] in [0] : vector<16xf32>, vector<16xi32> -> vector<16xf32>
    %broadcast_in_dim3A_47 = arith.constant 9 : i32
    %broadcast_in_dim3A_48 = vector.broadcast %broadcast_in_dim3A_47 : i32 to vector<16x1xi32>
    %gather3A_49 = vector.shape_cast %broadcast_in_dim3A_48 : vector<16x1xi32> to vector<16xi32>
    %gather3A_50 = tpu.dynamic_gather %get3A_8[%gather3A_49] in [0] : vector<16xf32>, vector<16xi32> -> vector<16xf32>
    %broadcast_in_dim3A_51 = arith.constant 10 : i32
    %broadcast_in_dim3A_52 = vector.broadcast %broadcast_in_dim3A_51 : i32 to vector<16x1xi32>
    %gather3A_53 = vector.shape_cast %broadcast_in_dim3A_52 : vector<16x1xi32> to vector<16xi32>
    %gather3A_54 = tpu.dynamic_gather %get3A_8[%gather3A_53] in [0] : vector<16xf32>, vector<16xi32> -> vector<16xf32>
    %broadcast_in_dim3A_55 = arith.constant 11 : i32
    %broadcast_in_dim3A_56 = vector.broadcast %broadcast_in_dim3A_55 : i32 to vector<16x1xi32>
    %gather3A_57 = vector.shape_cast %broadcast_in_dim3A_56 : vector<16x1xi32> to vector<16xi32>
    %gather3A_58 = tpu.dynamic_gather %get3A_8[%gather3A_57] in [0] : vector<16xf32>, vector<16xi32> -> vector<16xf32>
    %broadcast_in_dim3A_59 = arith.constant 12 : i32
    %broadcast_in_dim3A_60 = vector.broadcast %broadcast_in_dim3A_59 : i32 to vector<16x1xi32>
    %gather3A_61 = vector.shape_cast %broadcast_in_dim3A_60 : vector<16x1xi32> to vector<16xi32>
    %gather3A_62 = tpu.dynamic_gather %get3A_8[%gather3A_61] in [0] : vector<16xf32>, vector<16xi32> -> vector<16xf32>
    %broadcast_in_dim3A_63 = arith.constant 13 : i32
    %broadcast_in_dim3A_64 = vector.broadcast %broadcast_in_dim3A_63 : i32 to vector<16x1xi32>
    %gather3A_65 = vector.shape_cast %broadcast_in_dim3A_64 : vector<16x1xi32> to vector<16xi32>
    %gather3A_66 = tpu.dynamic_gather %get3A_8[%gather3A_65] in [0] : vector<16xf32>, vector<16xi32> -> vector<16xf32>
    %broadcast_in_dim3A_67 = arith.constant 14 : i32
    %broadcast_in_dim3A_68 = vector.broadcast %broadcast_in_dim3A_67 : i32 to vector<16x1xi32>
    %gather3A_69 = vector.shape_cast %broadcast_in_dim3A_68 : vector<16x1xi32> to vector<16xi32>
    %gather3A_70 = tpu.dynamic_gather %get3A_8[%gather3A_69] in [0] : vector<16xf32>, vector<16xi32> -> vector<16xf32>
    %broadcast_in_dim3A_71 = arith.constant 15 : i32
    %broadcast_in_dim3A_72 = vector.broadcast %broadcast_in_dim3A_71 : i32 to vector<16x1xi32>
    %gather3A_73 = vector.shape_cast %broadcast_in_dim3A_72 : vector<16x1xi32> to vector<16xi32>
    %gather3A_74 = tpu.dynamic_gather %get3A_8[%gather3A_73] in [0] : vector<16xf32>, vector<16xi32> -> vector<16xf32>
    %broadcast_in_dim3A_75 = arith.constant 0 : i32
    %broadcast_in_dim3A_76 = vector.broadcast %broadcast_in_dim3A_75 : i32 to vector<16x1xi32>
    %gather3A_77 = vector.shape_cast %broadcast_in_dim3A_76 : vector<16x1xi32> to vector<16xi32>
    %gather3A_78 = tpu.dynamic_gather %get3A_11[%gather3A_77] in [0] : vector<16xf32>, vector<16xi32> -> vector<16xf32>
    %broadcast_in_dim3A_79 = arith.constant 1 : i32
    %broadcast_in_dim3A_80 = vector.broadcast %broadcast_in_dim3A_79 : i32 to vector<16x1xi32>
    %gather3A_81 = vector.shape_cast %broadcast_in_dim3A_80 : vector<16x1xi32> to vector<16xi32>
    %gather3A_82 = tpu.dynamic_gather %get3A_11[%gather3A_81] in [0] : vector<16xf32>, vector<16xi32> -> vector<16xf32>
    %broadcast_in_dim3A_83 = arith.constant 2 : i32
    %broadcast_in_dim3A_84 = vector.broadcast %broadcast_in_dim3A_83 : i32 to vector<16x1xi32>
    %gather3A_85 = vector.shape_cast %broadcast_in_dim3A_84 : vector<16x1xi32> to vector<16xi32>
    %gather3A_86 = tpu.dynamic_gather %get3A_11[%gather3A_85] in [0] : vector<16xf32>, vector<16xi32> -> vector<16xf32>
    %mul3A_87 = arith.constant 400 : i32
    %mul3A_88 = arith.muli %add3A, %mul3A_87 : i32
    %dma_start3A = tpu.memref_slice %arg2[%mul3A_88] : memref<1000000xf32, #tpu.memory_space<hbm>> -> memref<400xf32, #tpu.memory_space<hbm>>
    %dma_start3A_89 = tpu.memref_slice %arg2[%mul3A_88] : memref<1000000xf32, #tpu.memory_space<hbm>> -> memref<400xf32, #tpu.memory_space<hbm>>
    tpu.enqueue_dma source(%dma_start3A_89 : memref<400xf32, #tpu.memory_space<hbm>>) target(%arg7 : memref<400xf32, #tpu.memory_space<vmem>>) target_semaphore(%arg12 : memref<!tpu.dma_semaphore, #tpu.memory_space<semaphore_mem>>)
    %scan3A = arith.constant 0 : i32
    %scan3A_90 = arith.constant 0 : i32
    %scan3A_91 = arith.constant 40 : i32
    %scan3A_92 = arith.addi %scan3A_90, %scan3A_91 : i32
    %scan3A_93 = arith.constant 1 : i32
    scf.for %scan3A_106 = %scan3A_90 to %scan3A_92 step %scan3A_93  : i32 {
      %mul3A_107 = arith.constant 64 : i32
      %mul3A_108 = arith.muli %mul3A_107, %scan3A_106 : i32
      %add3A_109 = arith.addi %add3A, %mul3A_108 : i32
      %add3A_110 = arith.constant 32 : i32
      %add3A_111 = arith.addi %add3A_109, %add3A_110 : i32
      %lt3A = arith.constant 2500 : i32
      %lt3A_112 = arith.cmpi slt, %add3A_111, %lt3A : i32
      %convert_element_type3A = arith.extui %lt3A_112 : i1 to i32
      %cond3A = arith.constant 0 : i32
      %cond3A_113 = arith.cmpi ne, %convert_element_type3A, %cond3A : i32
      scf.if %cond3A_113 {
        %mul3A_155 = arith.constant 400 : i32
        %mul3A_156 = arith.muli %add3A_111, %mul3A_155 : i32
        %dma_start3A_157 = tpu.memref_slice %arg2[%mul3A_156] : memref<1000000xf32, #tpu.memory_space<hbm>> -> memref<400xf32, #tpu.memory_space<hbm>>
        %dma_start3A_158 = tpu.memref_slice %arg2[%mul3A_156] : memref<1000000xf32, #tpu.memory_space<hbm>> -> memref<400xf32, #tpu.memory_space<hbm>>
        tpu.enqueue_dma source(%dma_start3A_158 : memref<400xf32, #tpu.memory_space<hbm>>) target(%arg8 : memref<400xf32, #tpu.memory_space<vmem>>) target_semaphore(%arg13 : memref<!tpu.dma_semaphore, #tpu.memory_space<semaphore_mem>>)
      } else {
      }
      %lt3A_114 = arith.constant 2500 : i32
      %lt3A_115 = arith.cmpi slt, %add3A_109, %lt3A_114 : i32
      %convert_element_type3A_116 = arith.extui %lt3A_115 : i1 to i32
      %cond3A_117 = arith.constant 0 : i32
      %cond3A_118 = arith.cmpi ne, %convert_element_type3A_116, %cond3A_117 : i32
      scf.if %cond3A_118 {
        %dma_wait3A_155 = arith.constant 0 : i32
        %dma_wait3A_156 = tpu.memref_slice %arg2[%dma_wait3A_155] : memref<1000000xf32, #tpu.memory_space<hbm>> -> memref<400xf32, #tpu.memory_space<hbm>>
        %dma_wait3A_157 = arith.constant 0 : i32
        %dma_wait3A_158 = tpu.memref_slice %arg2[%dma_wait3A_157] : memref<1000000xf32, #tpu.memory_space<hbm>> -> memref<400xf32, #tpu.memory_space<hbm>>
        tpu.wait_dma2 semaphore(%arg12 : memref<!tpu.dma_semaphore, #tpu.memory_space<semaphore_mem>>) src(%dma_wait3A_158 : memref<400xf32, #tpu.memory_space<hbm>>) dst(%arg7 : memref<400xf32, #tpu.memory_space<vmem>>)
      } else {
      }
      %gt3A = arith.constant 0 : i32
      %gt3A_119 = arith.cmpi sgt, %scan3A_106, %gt3A : i32
      %lt3A_120 = arith.constant 2500 : i32
      %lt3A_121 = arith.cmpi slt, %add3A_109, %lt3A_120 : i32
      %and3A = arith.andi %gt3A_119, %lt3A_121 : i1
      %convert_element_type3A_122 = arith.extui %and3A : i1 to i32
      %cond3A_123 = arith.constant 0 : i32
      %cond3A_124 = arith.cmpi ne, %convert_element_type3A_122, %cond3A_123 : i32
      scf.if %cond3A_124 {
        %dma_wait3A_155 = arith.constant 0 : i32
        %dma_wait3A_156 = arith.constant 0 : i32
        %dma_wait3A_157 = tpu.memref_slice %arg4[%dma_wait3A_155, %dma_wait3A_156] : memref<1000000x21xi32, #tpu.memory_space<hbm>> -> memref<400x21xi32, #tpu.memory_space<hbm>>
        %dma_wait3A_158 = arith.constant 0 : i32
        %dma_wait3A_159 = arith.constant 0 : i32
        %dma_wait3A_160 = tpu.memref_slice %arg4[%dma_wait3A_158, %dma_wait3A_159] : memref<1000000x21xi32, #tpu.memory_space<hbm>> -> memref<400x21xi32, #tpu.memory_space<hbm>>
        tpu.wait_dma2 semaphore(%arg10 : memref<!tpu.dma_semaphore, #tpu.memory_space<semaphore_mem>>) src(%arg5 : memref<400x21xi32, #tpu.memory_space<vmem>>) dst(%dma_wait3A_160 : memref<400x21xi32, #tpu.memory_space<hbm>>)
      } else {
      }
      %lt3A_125 = arith.constant 2500 : i32
      %lt3A_126 = arith.cmpi slt, %add3A_109, %lt3A_125 : i32
      %convert_element_type3A_127 = arith.extui %lt3A_126 : i1 to i32
      %cond3A_128 = arith.constant 0 : i32
      %cond3A_129 = arith.cmpi ne, %convert_element_type3A_127, %cond3A_128 : i32
      scf.if %cond3A_129 {
        %scan3A_155 = arith.constant 0 : i32
        %scan3A_156 = arith.constant 0 : i32
        %scan3A_157 = arith.constant 25 : i32
        %scan3A_158 = arith.addi %scan3A_156, %scan3A_157 : i32
        %scan3A_159 = arith.constant 1 : i32
        scf.for %scan3A_167 = %scan3A_156 to %scan3A_158 step %scan3A_159  : i32 {
          %mul3A_168 = arith.constant 16 : i32
          %mul3A_169 = arith.muli %mul3A_168, %scan3A_167 : i32
          %get3A_170 = arith.index_cast %mul3A_169 : i32 to index
          %get3A_171 = tpu.vector_load %arg7[%get3A_170] {strides = array<i32>} : memref<400xf32, #tpu.memory_space<vmem>>, vector<16xf32>,
          %get3A_172 = vector.shape_cast %get3A_171 : vector<16xf32> to vector<16xf32>
          %gt3A_173 = arith.cmpf ogt, %get3A_172, %gather3A_14 : vector<16xf32>
          %select_n3A = arith.select %gt3A_173, %broadcast_in_dim3A_4, %broadcast_in_dim3A_6 : vector<16xi1>, vector<16xi32>
          %add3A_174 = arith.addi %broadcast_in_dim3A_6, %select_n3A : vector<16xi32>
          %gt3A_175 = arith.cmpf ogt, %get3A_172, %gather3A_18 : vector<16xf32>
          %select_n3A_176 = arith.select %gt3A_175, %broadcast_in_dim3A_4, %broadcast_in_dim3A_6 : vector<16xi1>, vector<16xi32>
          %add3A_177 = arith.addi %add3A_174, %select_n3A_176 : vector<16xi32>
          %gt3A_178 = arith.cmpf ogt, %get3A_172, %gather3A_22 : vector<16xf32>
          %select_n3A_179 = arith.select %gt3A_178, %broadcast_in_dim3A_4, %broadcast_in_dim3A_6 : vector<16xi1>, vector<16xi32>
          %add3A_180 = arith.addi %add3A_177, %select_n3A_179 : vector<16xi32>
          %gt3A_181 = arith.cmpf ogt, %get3A_172, %gather3A_26 : vector<16xf32>
          %select_n3A_182 = arith.select %gt3A_181, %broadcast_in_dim3A_4, %broadcast_in_dim3A_6 : vector<16xi1>, vector<16xi32>
          %add3A_183 = arith.addi %add3A_180, %select_n3A_182 : vector<16xi32>
          %gt3A_184 = arith.cmpf ogt, %get3A_172, %gather3A_30 : vector<16xf32>
          %select_n3A_185 = arith.select %gt3A_184, %broadcast_in_dim3A_4, %broadcast_in_dim3A_6 : vector<16xi1>, vector<16xi32>
          %add3A_186 = arith.addi %add3A_183, %select_n3A_185 : vector<16xi32>
          %gt3A_187 = arith.cmpf ogt, %get3A_172, %gather3A_34 : vector<16xf32>
          %select_n3A_188 = arith.select %gt3A_187, %broadcast_in_dim3A_4, %broadcast_in_dim3A_6 : vector<16xi1>, vector<16xi32>
          %add3A_189 = arith.addi %add3A_186, %select_n3A_188 : vector<16xi32>
          %gt3A_190 = arith.cmpf ogt, %get3A_172, %gather3A_38 : vector<16xf32>
          %select_n3A_191 = arith.select %gt3A_190, %broadcast_in_dim3A_4, %broadcast_in_dim3A_6 : vector<16xi1>, vector<16xi32>
          %add3A_192 = arith.addi %add3A_189, %select_n3A_191 : vector<16xi32>
          %gt3A_193 = arith.cmpf ogt, %get3A_172, %gather3A_42 : vector<16xf32>
          %select_n3A_194 = arith.select %gt3A_193, %broadcast_in_dim3A_4, %broadcast_in_dim3A_6 : vector<16xi1>, vector<16xi32>
          %add3A_195 = arith.addi %add3A_192, %select_n3A_194 : vector<16xi32>
          %gt3A_196 = arith.cmpf ogt, %get3A_172, %gather3A_46 : vector<16xf32>
          %select_n3A_197 = arith.select %gt3A_196, %broadcast_in_dim3A_4, %broadcast_in_dim3A_6 : vector<16xi1>, vector<16xi32>
          %add3A_198 = arith.addi %add3A_195, %select_n3A_197 : vector<16xi32>
          %gt3A_199 = arith.cmpf ogt, %get3A_172, %gather3A_50 : vector<16xf32>
          %select_n3A_200 = arith.select %gt3A_199, %broadcast_in_dim3A_4, %broadcast_in_dim3A_6 : vector<16xi1>, vector<16xi32>
          %add3A_201 = arith.addi %add3A_198, %select_n3A_200 : vector<16xi32>
          %gt3A_202 = arith.cmpf ogt, %get3A_172, %gather3A_54 : vector<16xf32>
          %select_n3A_203 = arith.select %gt3A_202, %broadcast_in_dim3A_4, %broadcast_in_dim3A_6 : vector<16xi1>, vector<16xi32>
          %add3A_204 = arith.addi %add3A_201, %select_n3A_203 : vector<16xi32>
          %gt3A_205 = arith.cmpf ogt, %get3A_172, %gather3A_58 : vector<16xf32>
          %select_n3A_206 = arith.select %gt3A_205, %broadcast_in_dim3A_4, %broadcast_in_dim3A_6 : vector<16xi1>, vector<16xi32>
          %add3A_207 = arith.addi %add3A_204, %select_n3A_206 : vector<16xi32>
          %gt3A_208 = arith.cmpf ogt, %get3A_172, %gather3A_62 : vector<16xf32>
          %select_n3A_209 = arith.select %gt3A_208, %broadcast_in_dim3A_4, %broadcast_in_dim3A_6 : vector<16xi1>, vector<16xi32>
          %add3A_210 = arith.addi %add3A_207, %select_n3A_209 : vector<16xi32>
          %gt3A_211 = arith.cmpf ogt, %get3A_172, %gather3A_66 : vector<16xf32>
          %select_n3A_212 = arith.select %gt3A_211, %broadcast_in_dim3A_4, %broadcast_in_dim3A_6 : vector<16xi1>, vector<16xi32>
          %add3A_213 = arith.addi %add3A_210, %select_n3A_212 : vector<16xi32>
          %gt3A_214 = arith.cmpf ogt, %get3A_172, %gather3A_70 : vector<16xf32>
          %select_n3A_215 = arith.select %gt3A_214, %broadcast_in_dim3A_4, %broadcast_in_dim3A_6 : vector<16xi1>, vector<16xi32>
          %add3A_216 = arith.addi %add3A_213, %select_n3A_215 : vector<16xi32>
          %gt3A_217 = arith.cmpf ogt, %get3A_172, %gather3A_74 : vector<16xf32>
          %select_n3A_218 = arith.select %gt3A_217, %broadcast_in_dim3A_4, %broadcast_in_dim3A_6 : vector<16xi1>, vector<16xi32>
          %add3A_219 = arith.addi %add3A_216, %select_n3A_218 : vector<16xi32>
          %gt3A_220 = arith.cmpf ogt, %get3A_172, %gather3A_78 : vector<16xf32>
          %select_n3A_221 = arith.select %gt3A_220, %broadcast_in_dim3A_4, %broadcast_in_dim3A_6 : vector<16xi1>, vector<16xi32>
          %add3A_222 = arith.addi %add3A_219, %select_n3A_221 : vector<16xi32>
          %gt3A_223 = arith.cmpf ogt, %get3A_172, %gather3A_82 : vector<16xf32>
          %select_n3A_224 = arith.select %gt3A_223, %broadcast_in_dim3A_4, %broadcast_in_dim3A_6 : vector<16xi1>, vector<16xi32>
          %add3A_225 = arith.addi %add3A_222, %select_n3A_224 : vector<16xi32>
          %gt3A_226 = arith.cmpf ogt, %get3A_172, %gather3A_86 : vector<16xf32>
          %select_n3A_227 = arith.select %gt3A_226, %broadcast_in_dim3A_4, %broadcast_in_dim3A_6 : vector<16xi1>, vector<16xi32>
          %add3A_228 = arith.addi %add3A_225, %select_n3A_227 : vector<16xi32>
          %broadcast_in_dim3A_229 = arith.constant 0 : i32
          %broadcast_in_dim3A_230 = vector.broadcast %broadcast_in_dim3A_229 : i32 to vector<16x1xi32>
          %gather3A_231 = vector.shape_cast %broadcast_in_dim3A_230 : vector<16x1xi32> to vector<16xi32>
          %gather3A_232 = tpu.dynamic_gather %add3A_228[%gather3A_231] in [0] : vector<16xi32>, vector<16xi32> -> vector<16xi32>
          %mul3A_233 = arith.constant 16 : i32
          %mul3A_234 = arith.muli %mul3A_233, %scan3A_167 : i32
          %add3A_235 = arith.constant 0 : i32
          %add3A_236 = arith.addi %mul3A_234, %add3A_235 : i32
          %eq3A = arith.cmpi eq, %iota3A, %gather3A_232 : vector<16xi32>
          %select_n3A_237 = arith.select %eq3A, %broadcast_in_dim3A_4, %broadcast_in_dim3A_6 : vector<16xi1>, vector<16xi32>
          %swap3A = arith.index_cast %add3A_236 : i32 to index
          %swap3A_238 = arith.constant 0 : index
          %swap3A_239 = tpu.vector_load %arg5[%swap3A, %swap3A_238] {strides = array<i32>} : memref<400x21xi32, #tpu.memory_space<vmem>>, vector<1x16xi32>,
          %swap3A_240 = vector.shape_cast %swap3A_239 : vector<1x16xi32> to vector<16xi32>
          %swap3A_241 = vector.shape_cast %select_n3A_237 : vector<16xi32> to vector<1x16xi32>
          tpu.vector_store %arg5[%swap3A, %swap3A_238], %swap3A_241 {strides = array<i32>} : memref<400x21xi32, #tpu.memory_space<vmem>>, vector<1x16xi32>,
          %eq3A_242 = arith.cmpi eq, %add3A_3, %gather3A_232 : vector<16xi32>
          %select_n3A_243 = arith.select %eq3A_242, %broadcast_in_dim3A_4, %broadcast_in_dim3A_6 : vector<16xi1>, vector<16xi32>
          %swap3A_244 = arith.index_cast %add3A_236 : i32 to index
          %swap3A_245 = arith.constant 5 : index
          %swap3A_246 = tpu.vector_load %arg5[%swap3A_244, %swap3A_245] {strides = array<i32>} : memref<400x21xi32, #tpu.memory_space<vmem>>, vector<1x16xi32>,
          %swap3A_247 = vector.shape_cast %swap3A_246 : vector<1x16xi32> to vector<16xi32>
          %swap3A_248 = vector.shape_cast %select_n3A_243 : vector<16xi32> to vector<1x16xi32>
          tpu.vector_store %arg5[%swap3A_244, %swap3A_245], %swap3A_248 {strides = array<i32>} : memref<400x21xi32, #tpu.memory_space<vmem>>, vector<1x16xi32>,
          %broadcast_in_dim3A_249 = arith.constant 1 : i32
          %broadcast_in_dim3A_250 = vector.broadcast %broadcast_in_dim3A_249 : i32 to vector<16x1xi32>
          %gather3A_251 = vector.shape_cast %broadcast_in_dim3A_250 : vector<16x1xi32> to vector<16xi32>
          %gather3A_252 = tpu.dynamic_gather %add3A_228[%gather3A_251] in [0] : vector<16xi32>, vector<16xi32> -> vector<16xi32>
          %mul3A_253 = arith.constant 16 : i32
          %mul3A_254 = arith.muli %mul3A_253, %scan3A_167 : i32
          %add3A_255 = arith.constant 1 : i32
          %add3A_256 = arith.addi %mul3A_254, %add3A_255 : i32
          %eq3A_257 = arith.cmpi eq, %iota3A, %gather3A_252 : vector<16xi32>
          %select_n3A_258 = arith.select %eq3A_257, %broadcast_in_dim3A_4, %broadcast_in_dim3A_6 : vector<16xi1>, vector<16xi32>
          %swap3A_259 = arith.index_cast %add3A_256 : i32 to index
          %swap3A_260 = arith.constant 0 : index
          %swap3A_261 = tpu.vector_load %arg5[%swap3A_259, %swap3A_260] {strides = array<i32>} : memref<400x21xi32, #tpu.memory_space<vmem>>, vector<1x16xi32>,
          %swap3A_262 = vector.shape_cast %swap3A_261 : vector<1x16xi32> to vector<16xi32>
          %swap3A_263 = vector.shape_cast %select_n3A_258 : vector<16xi32> to vector<1x16xi32>
          tpu.vector_store %arg5[%swap3A_259, %swap3A_260], %swap3A_263 {strides = array<i32>} : memref<400x21xi32, #tpu.memory_space<vmem>>, vector<1x16xi32>,
          %eq3A_264 = arith.cmpi eq, %add3A_3, %gather3A_252 : vector<16xi32>
          %select_n3A_265 = arith.select %eq3A_264, %broadcast_in_dim3A_4, %broadcast_in_dim3A_6 : vector<16xi1>, vector<16xi32>
          %swap3A_266 = arith.index_cast %add3A_256 : i32 to index
          %swap3A_267 = arith.constant 5 : index
          %swap3A_268 = tpu.vector_load %arg5[%swap3A_266, %swap3A_267] {strides = array<i32>} : memref<400x21xi32, #tpu.memory_space<vmem>>, vector<1x16xi32>,
          %swap3A_269 = vector.shape_cast %swap3A_268 : vector<1x16xi32> to vector<16xi32>
          %swap3A_270 = vector.shape_cast %select_n3A_265 : vector<16xi32> to vector<1x16xi32>
          tpu.vector_store %arg5[%swap3A_266, %swap3A_267], %swap3A_270 {strides = array<i32>} : memref<400x21xi32, #tpu.memory_space<vmem>>, vector<1x16xi32>,
          %broadcast_in_dim3A_271 = arith.constant 2 : i32
          %broadcast_in_dim3A_272 = vector.broadcast %broadcast_in_dim3A_271 : i32 to vector<16x1xi32>
          %gather3A_273 = vector.shape_cast %broadcast_in_dim3A_272 : vector<16x1xi32> to vector<16xi32>
          %gather3A_274 = tpu.dynamic_gather %add3A_228[%gather3A_273] in [0] : vector<16xi32>, vector<16xi32> -> vector<16xi32>
          %mul3A_275 = arith.constant 16 : i32
          %mul3A_276 = arith.muli %mul3A_275, %scan3A_167 : i32
          %add3A_277 = arith.constant 2 : i32
          %add3A_278 = arith.addi %mul3A_276, %add3A_277 : i32
          %eq3A_279 = arith.cmpi eq, %iota3A, %gather3A_274 : vector<16xi32>
          %select_n3A_280 = arith.select %eq3A_279, %broadcast_in_dim3A_4, %broadcast_in_dim3A_6 : vector<16xi1>, vector<16xi32>
          %swap3A_281 = arith.index_cast %add3A_278 : i32 to index
          %swap3A_282 = arith.constant 0 : index
          %swap3A_283 = tpu.vector_load %arg5[%swap3A_281, %swap3A_282] {strides = array<i32>} : memref<400x21xi32, #tpu.memory_space<vmem>>, vector<1x16xi32>,
          %swap3A_284 = vector.shape_cast %swap3A_283 : vector<1x16xi32> to vector<16xi32>
          %swap3A_285 = vector.shape_cast %select_n3A_280 : vector<16xi32> to vector<1x16xi32>
          tpu.vector_store %arg5[%swap3A_281, %swap3A_282], %swap3A_285 {strides = array<i32>} : memref<400x21xi32, #tpu.memory_space<vmem>>, vector<1x16xi32>,
          %eq3A_286 = arith.cmpi eq, %add3A_3, %gather3A_274 : vector<16xi32>
          %select_n3A_287 = arith.select %eq3A_286, %broadcast_in_dim3A_4, %broadcast_in_dim3A_6 : vector<16xi1>, vector<16xi32>
          %swap3A_288 = arith.index_cast %add3A_278 : i32 to index
          %swap3A_289 = arith.constant 5 : index
          %swap3A_290 = tpu.vector_load %arg5[%swap3A_288, %swap3A_289] {strides = array<i32>} : memref<400x21xi32, #tpu.memory_space<vmem>>, vector<1x16xi32>,
          %swap3A_291 = vector.shape_cast %swap3A_290 : vector<1x16xi32> to vector<16xi32>
          %swap3A_292 = vector.shape_cast %select_n3A_287 : vector<16xi32> to vector<1x16xi32>
          tpu.vector_store %arg5[%swap3A_288, %swap3A_289], %swap3A_292 {strides = array<i32>} : memref<400x21xi32, #tpu.memory_space<vmem>>, vector<1x16xi32>,
          %broadcast_in_dim3A_293 = arith.constant 3 : i32
          %broadcast_in_dim3A_294 = vector.broadcast %broadcast_in_dim3A_293 : i32 to vector<16x1xi32>
          %gather3A_295 = vector.shape_cast %broadcast_in_dim3A_294 : vector<16x1xi32> to vector<16xi32>
          %gather3A_296 = tpu.dynamic_gather %add3A_228[%gather3A_295] in [0] : vector<16xi32>, vector<16xi32> -> vector<16xi32>
          %mul3A_297 = arith.constant 16 : i32
          %mul3A_298 = arith.muli %mul3A_297, %scan3A_167 : i32
          %add3A_299 = arith.constant 3 : i32
          %add3A_300 = arith.addi %mul3A_298, %add3A_299 : i32
          %eq3A_301 = arith.cmpi eq, %iota3A, %gather3A_296 : vector<16xi32>
          %select_n3A_302 = arith.select %eq3A_301, %broadcast_in_dim3A_4, %broadcast_in_dim3A_6 : vector<16xi1>, vector<16xi32>
          %swap3A_303 = arith.index_cast %add3A_300 : i32 to index
          %swap3A_304 = arith.constant 0 : index
          %swap3A_305 = tpu.vector_load %arg5[%swap3A_303, %swap3A_304] {strides = array<i32>} : memref<400x21xi32, #tpu.memory_space<vmem>>, vector<1x16xi32>,
          %swap3A_306 = vector.shape_cast %swap3A_305 : vector<1x16xi32> to vector<16xi32>
          %swap3A_307 = vector.shape_cast %select_n3A_302 : vector<16xi32> to vector<1x16xi32>
          tpu.vector_store %arg5[%swap3A_303, %swap3A_304], %swap3A_307 {strides = array<i32>} : memref<400x21xi32, #tpu.memory_space<vmem>>, vector<1x16xi32>,
          %eq3A_308 = arith.cmpi eq, %add3A_3, %gather3A_296 : vector<16xi32>
          %select_n3A_309 = arith.select %eq3A_308, %broadcast_in_dim3A_4, %broadcast_in_dim3A_6 : vector<16xi1>, vector<16xi32>
          %swap3A_310 = arith.index_cast %add3A_300 : i32 to index
          %swap3A_311 = arith.constant 5 : index
          %swap3A_312 = tpu.vector_load %arg5[%swap3A_310, %swap3A_311] {strides = array<i32>} : memref<400x21xi32, #tpu.memory_space<vmem>>, vector<1x16xi32>,
          %swap3A_313 = vector.shape_cast %swap3A_312 : vector<1x16xi32> to vector<16xi32>
          %swap3A_314 = vector.shape_cast %select_n3A_309 : vector<16xi32> to vector<1x16xi32>
          tpu.vector_store %arg5[%swap3A_310, %swap3A_311], %swap3A_314 {strides = array<i32>} : memref<400x21xi32, #tpu.memory_space<vmem>>, vector<1x16xi32>,
          %broadcast_in_dim3A_315 = arith.constant 4 : i32
          %broadcast_in_dim3A_316 = vector.broadcast %broadcast_in_dim3A_315 : i32 to vector<16x1xi32>
          %gather3A_317 = vector.shape_cast %broadcast_in_dim3A_316 : vector<16x1xi32> to vector<16xi32>
          %gather3A_318 = tpu.dynamic_gather %add3A_228[%gather3A_317] in [0] : vector<16xi32>, vector<16xi32> -> vector<16xi32>
          %mul3A_319 = arith.constant 16 : i32
          %mul3A_320 = arith.muli %mul3A_319, %scan3A_167 : i32
          %add3A_321 = arith.constant 4 : i32
          %add3A_322 = arith.addi %mul3A_320, %add3A_321 : i32
          %eq3A_323 = arith.cmpi eq, %iota3A, %gather3A_318 : vector<16xi32>
          %select_n3A_324 = arith.select %eq3A_323, %broadcast_in_dim3A_4, %broadcast_in_dim3A_6 : vector<16xi1>, vector<16xi32>
          %swap3A_325 = arith.index_cast %add3A_322 : i32 to index
          %swap3A_326 = arith.constant 0 : index
          %swap3A_327 = tpu.vector_load %arg5[%swap3A_325, %swap3A_326] {strides = array<i32>} : memref<400x21xi32, #tpu.memory_space<vmem>>, vector<1x16xi32>,
          %swap3A_328 = vector.shape_cast %swap3A_327 : vector<1x16xi32> to vector<16xi32>
          %swap3A_329 = vector.shape_cast %select_n3A_324 : vector<16xi32> to vector<1x16xi32>
          tpu.vector_store %arg5[%swap3A_325, %swap3A_326], %swap3A_329 {strides = array<i32>} : memref<400x21xi32, #tpu.memory_space<vmem>>, vector<1x16xi32>,
          %eq3A_330 = arith.cmpi eq, %add3A_3, %gather3A_318 : vector<16xi32>
          %select_n3A_331 = arith.select %eq3A_330, %broadcast_in_dim3A_4, %broadcast_in_dim3A_6 : vector<16xi1>, vector<16xi32>
          %swap3A_332 = arith.index_cast %add3A_322 : i32 to index
          %swap3A_333 = arith.constant 5 : index
          %swap3A_334 = tpu.vector_load %arg5[%swap3A_332, %swap3A_333] {strides = array<i32>} : memref<400x21xi32, #tpu.memory_space<vmem>>, vector<1x16xi32>,
          %swap3A_335 = vector.shape_cast %swap3A_334 : vector<1x16xi32> to vector<16xi32>
          %swap3A_336 = vector.shape_cast %select_n3A_331 : vector<16xi32> to vector<1x16xi32>
          tpu.vector_store %arg5[%swap3A_332, %swap3A_333], %swap3A_336 {strides = array<i32>} : memref<400x21xi32, #tpu.memory_space<vmem>>, vector<1x16xi32>,
          %broadcast_in_dim3A_337 = arith.constant 5 : i32
          %broadcast_in_dim3A_338 = vector.broadcast %broadcast_in_dim3A_337 : i32 to vector<16x1xi32>
          %gather3A_339 = vector.shape_cast %broadcast_in_dim3A_338 : vector<16x1xi32> to vector<16xi32>
          %gather3A_340 = tpu.dynamic_gather %add3A_228[%gather3A_339] in [0] : vector<16xi32>, vector<16xi32> -> vector<16xi32>
          %mul3A_341 = arith.constant 16 : i32
          %mul3A_342 = arith.muli %mul3A_341, %scan3A_167 : i32
          %add3A_343 = arith.constant 5 : i32
          %add3A_344 = arith.addi %mul3A_342, %add3A_343 : i32
          %eq3A_345 = arith.cmpi eq, %iota3A, %gather3A_340 : vector<16xi32>
          %select_n3A_346 = arith.select %eq3A_345, %broadcast_in_dim3A_4, %broadcast_in_dim3A_6 : vector<16xi1>, vector<16xi32>
          %swap3A_347 = arith.index_cast %add3A_344 : i32 to index
          %swap3A_348 = arith.constant 0 : index
          %swap3A_349 = tpu.vector_load %arg5[%swap3A_347, %swap3A_348] {strides = array<i32>} : memref<400x21xi32, #tpu.memory_space<vmem>>, vector<1x16xi32>,
          %swap3A_350 = vector.shape_cast %swap3A_349 : vector<1x16xi32> to vector<16xi32>
          %swap3A_351 = vector.shape_cast %select_n3A_346 : vector<16xi32> to vector<1x16xi32>
          tpu.vector_store %arg5[%swap3A_347, %swap3A_348], %swap3A_351 {strides = array<i32>} : memref<400x21xi32, #tpu.memory_space<vmem>>, vector<1x16xi32>,
          %eq3A_352 = arith.cmpi eq, %add3A_3, %gather3A_340 : vector<16xi32>
          %select_n3A_353 = arith.select %eq3A_352, %broadcast_in_dim3A_4, %broadcast_in_dim3A_6 : vector<16xi1>, vector<16xi32>
          %swap3A_354 = arith.index_cast %add3A_344 : i32 to index
          %swap3A_355 = arith.constant 5 : index
          %swap3A_356 = tpu.vector_load %arg5[%swap3A_354, %swap3A_355] {strides = array<i32>} : memref<400x21xi32, #tpu.memory_space<vmem>>, vector<1x16xi32>,
          %swap3A_357 = vector.shape_cast %swap3A_356 : vector<1x16xi32> to vector<16xi32>
          %swap3A_358 = vector.shape_cast %select_n3A_353 : vector<16xi32> to vector<1x16xi32>
          tpu.vector_store %arg5[%swap3A_354, %swap3A_355], %swap3A_358 {strides = array<i32>} : memref<400x21xi32, #tpu.memory_space<vmem>>, vector<1x16xi32>,
          %broadcast_in_dim3A_359 = arith.constant 6 : i32
          %broadcast_in_dim3A_360 = vector.broadcast %broadcast_in_dim3A_359 : i32 to vector<16x1xi32>
          %gather3A_361 = vector.shape_cast %broadcast_in_dim3A_360 : vector<16x1xi32> to vector<16xi32>
          %gather3A_362 = tpu.dynamic_gather %add3A_228[%gather3A_361] in [0] : vector<16xi32>, vector<16xi32> -> vector<16xi32>
          %mul3A_363 = arith.constant 16 : i32
          %mul3A_364 = arith.muli %mul3A_363, %scan3A_167 : i32
          %add3A_365 = arith.constant 6 : i32
          %add3A_366 = arith.addi %mul3A_364, %add3A_365 : i32
          %eq3A_367 = arith.cmpi eq, %iota3A, %gather3A_362 : vector<16xi32>
          %select_n3A_368 = arith.select %eq3A_367, %broadcast_in_dim3A_4, %broadcast_in_dim3A_6 : vector<16xi1>, vector<16xi32>
          %swap3A_369 = arith.index_cast %add3A_366 : i32 to index
          %swap3A_370 = arith.constant 0 : index
          %swap3A_371 = tpu.vector_load %arg5[%swap3A_369, %swap3A_370] {strides = array<i32>} : memref<400x21xi32, #tpu.memory_space<vmem>>, vector<1x16xi32>,
          %swap3A_372 = vector.shape_cast %swap3A_371 : vector<1x16xi32> to vector<16xi32>
          %swap3A_373 = vector.shape_cast %select_n3A_368 : vector<16xi32> to vector<1x16xi32>
          tpu.vector_store %arg5[%swap3A_369, %swap3A_370], %swap3A_373 {strides = array<i32>} : memref<400x21xi32, #tpu.memory_space<vmem>>, vector<1x16xi32>,
          %eq3A_374 = arith.cmpi eq, %add3A_3, %gather3A_362 : vector<16xi32>
          %select_n3A_375 = arith.select %eq3A_374, %broadcast_in_dim3A_4, %broadcast_in_dim3A_6 : vector<16xi1>, vector<16xi32>
          %swap3A_376 = arith.index_cast %add3A_366 : i32 to index
          %swap3A_377 = arith.constant 5 : index
          %swap3A_378 = tpu.vector_load %arg5[%swap3A_376, %swap3A_377] {strides = array<i32>} : memref<400x21xi32, #tpu.memory_space<vmem>>, vector<1x16xi32>,
          %swap3A_379 = vector.shape_cast %swap3A_378 : vector<1x16xi32> to vector<16xi32>
          %swap3A_380 = vector.shape_cast %select_n3A_375 : vector<16xi32> to vector<1x16xi32>
          tpu.vector_store %arg5[%swap3A_376, %swap3A_377], %swap3A_380 {strides = array<i32>} : memref<400x21xi32, #tpu.memory_space<vmem>>, vector<1x16xi32>,
          %broadcast_in_dim3A_381 = arith.constant 7 : i32
          %broadcast_in_dim3A_382 = vector.broadcast %broadcast_in_dim3A_381 : i32 to vector<16x1xi32>
          %gather3A_383 = vector.shape_cast %broadcast_in_dim3A_382 : vector<16x1xi32> to vector<16xi32>
          %gather3A_384 = tpu.dynamic_gather %add3A_228[%gather3A_383] in [0] : vector<16xi32>, vector<16xi32> -> vector<16xi32>
          %mul3A_385 = arith.constant 16 : i32
          %mul3A_386 = arith.muli %mul3A_385, %scan3A_167 : i32
          %add3A_387 = arith.constant 7 : i32
          %add3A_388 = arith.addi %mul3A_386, %add3A_387 : i32
          %eq3A_389 = arith.cmpi eq, %iota3A, %gather3A_384 : vector<16xi32>
          %select_n3A_390 = arith.select %eq3A_389, %broadcast_in_dim3A_4, %broadcast_in_dim3A_6 : vector<16xi1>, vector<16xi32>
          %swap3A_391 = arith.index_cast %add3A_388 : i32 to index
          %swap3A_392 = arith.constant 0 : index
          %swap3A_393 = tpu.vector_load %arg5[%swap3A_391, %swap3A_392] {strides = array<i32>} : memref<400x21xi32, #tpu.memory_space<vmem>>, vector<1x16xi32>,
          %swap3A_394 = vector.shape_cast %swap3A_393 : vector<1x16xi32> to vector<16xi32>
          %swap3A_395 = vector.shape_cast %select_n3A_390 : vector<16xi32> to vector<1x16xi32>
          tpu.vector_store %arg5[%swap3A_391, %swap3A_392], %swap3A_395 {strides = array<i32>} : memref<400x21xi32, #tpu.memory_space<vmem>>, vector<1x16xi32>,
          %eq3A_396 = arith.cmpi eq, %add3A_3, %gather3A_384 : vector<16xi32>
          %select_n3A_397 = arith.select %eq3A_396, %broadcast_in_dim3A_4, %broadcast_in_dim3A_6 : vector<16xi1>, vector<16xi32>
          %swap3A_398 = arith.index_cast %add3A_388 : i32 to index
          %swap3A_399 = arith.constant 5 : index
          %swap3A_400 = tpu.vector_load %arg5[%swap3A_398, %swap3A_399] {strides = array<i32>} : memref<400x21xi32, #tpu.memory_space<vmem>>, vector<1x16xi32>,
          %swap3A_401 = vector.shape_cast %swap3A_400 : vector<1x16xi32> to vector<16xi32>
          %swap3A_402 = vector.shape_cast %select_n3A_397 : vector<16xi32> to vector<1x16xi32>
          tpu.vector_store %arg5[%swap3A_398, %swap3A_399], %swap3A_402 {strides = array<i32>} : memref<400x21xi32, #tpu.memory_space<vmem>>, vector<1x16xi32>,
          %broadcast_in_dim3A_403 = arith.constant 8 : i32
          %broadcast_in_dim3A_404 = vector.broadcast %broadcast_in_dim3A_403 : i32 to vector<16x1xi32>
          %gather3A_405 = vector.shape_cast %broadcast_in_dim3A_404 : vector<16x1xi32> to vector<16xi32>
          %gather3A_406 = tpu.dynamic_gather %add3A_228[%gather3A_405] in [0] : vector<16xi32>, vector<16xi32> -> vector<16xi32>
          %mul3A_407 = arith.constant 16 : i32
          %mul3A_408 = arith.muli %mul3A_407, %scan3A_167 : i32
          %add3A_409 = arith.constant 8 : i32
          %add3A_410 = arith.addi %mul3A_408, %add3A_409 : i32
          %eq3A_411 = arith.cmpi eq, %iota3A, %gather3A_406 : vector<16xi32>
          %select_n3A_412 = arith.select %eq3A_411, %broadcast_in_dim3A_4, %broadcast_in_dim3A_6 : vector<16xi1>, vector<16xi32>
          %swap3A_413 = arith.index_cast %add3A_410 : i32 to index
          %swap3A_414 = arith.constant 0 : index
          %swap3A_415 = tpu.vector_load %arg5[%swap3A_413, %swap3A_414] {strides = array<i32>} : memref<400x21xi32, #tpu.memory_space<vmem>>, vector<1x16xi32>,
          %swap3A_416 = vector.shape_cast %swap3A_415 : vector<1x16xi32> to vector<16xi32>
          %swap3A_417 = vector.shape_cast %select_n3A_412 : vector<16xi32> to vector<1x16xi32>
          tpu.vector_store %arg5[%swap3A_413, %swap3A_414], %swap3A_417 {strides = array<i32>} : memref<400x21xi32, #tpu.memory_space<vmem>>, vector<1x16xi32>,
          %eq3A_418 = arith.cmpi eq, %add3A_3, %gather3A_406 : vector<16xi32>
          %select_n3A_419 = arith.select %eq3A_418, %broadcast_in_dim3A_4, %broadcast_in_dim3A_6 : vector<16xi1>, vector<16xi32>
          %swap3A_420 = arith.index_cast %add3A_410 : i32 to index
          %swap3A_421 = arith.constant 5 : index
          %swap3A_422 = tpu.vector_load %arg5[%swap3A_420, %swap3A_421] {strides = array<i32>} : memref<400x21xi32, #tpu.memory_space<vmem>>, vector<1x16xi32>,
          %swap3A_423 = vector.shape_cast %swap3A_422 : vector<1x16xi32> to vector<16xi32>
          %swap3A_424 = vector.shape_cast %select_n3A_419 : vector<16xi32> to vector<1x16xi32>
          tpu.vector_store %arg5[%swap3A_420, %swap3A_421], %swap3A_424 {strides = array<i32>} : memref<400x21xi32, #tpu.memory_space<vmem>>, vector<1x16xi32>,
          %broadcast_in_dim3A_425 = arith.constant 9 : i32
          %broadcast_in_dim3A_426 = vector.broadcast %broadcast_in_dim3A_425 : i32 to vector<16x1xi32>
          %gather3A_427 = vector.shape_cast %broadcast_in_dim3A_426 : vector<16x1xi32> to vector<16xi32>
          %gather3A_428 = tpu.dynamic_gather %add3A_228[%gather3A_427] in [0] : vector<16xi32>, vector<16xi32> -> vector<16xi32>
          %mul3A_429 = arith.constant 16 : i32
          %mul3A_430 = arith.muli %mul3A_429, %scan3A_167 : i32
          %add3A_431 = arith.constant 9 : i32
          %add3A_432 = arith.addi %mul3A_430, %add3A_431 : i32
          %eq3A_433 = arith.cmpi eq, %iota3A, %gather3A_428 : vector<16xi32>
          %select_n3A_434 = arith.select %eq3A_433, %broadcast_in_dim3A_4, %broadcast_in_dim3A_6 : vector<16xi1>, vector<16xi32>
          %swap3A_435 = arith.index_cast %add3A_432 : i32 to index
          %swap3A_436 = arith.constant 0 : index
          %swap3A_437 = tpu.vector_load %arg5[%swap3A_435, %swap3A_436] {strides = array<i32>} : memref<400x21xi32, #tpu.memory_space<vmem>>, vector<1x16xi32>,
          %swap3A_438 = vector.shape_cast %swap3A_437 : vector<1x16xi32> to vector<16xi32>
          %swap3A_439 = vector.shape_cast %select_n3A_434 : vector<16xi32> to vector<1x16xi32>
          tpu.vector_store %arg5[%swap3A_435, %swap3A_436], %swap3A_439 {strides = array<i32>} : memref<400x21xi32, #tpu.memory_space<vmem>>, vector<1x16xi32>,
          %eq3A_440 = arith.cmpi eq, %add3A_3, %gather3A_428 : vector<16xi32>
          %select_n3A_441 = arith.select %eq3A_440, %broadcast_in_dim3A_4, %broadcast_in_dim3A_6 : vector<16xi1>, vector<16xi32>
          %swap3A_442 = arith.index_cast %add3A_432 : i32 to index
          %swap3A_443 = arith.constant 5 : index
          %swap3A_444 = tpu.vector_load %arg5[%swap3A_442, %swap3A_443] {strides = array<i32>} : memref<400x21xi32, #tpu.memory_space<vmem>>, vector<1x16xi32>,
          %swap3A_445 = vector.shape_cast %swap3A_444 : vector<1x16xi32> to vector<16xi32>
          %swap3A_446 = vector.shape_cast %select_n3A_441 : vector<16xi32> to vector<1x16xi32>
          tpu.vector_store %arg5[%swap3A_442, %swap3A_443], %swap3A_446 {strides = array<i32>} : memref<400x21xi32, #tpu.memory_space<vmem>>, vector<1x16xi32>,
          %broadcast_in_dim3A_447 = arith.constant 10 : i32
          %broadcast_in_dim3A_448 = vector.broadcast %broadcast_in_dim3A_447 : i32 to vector<16x1xi32>
          %gather3A_449 = vector.shape_cast %broadcast_in_dim3A_448 : vector<16x1xi32> to vector<16xi32>
          %gather3A_450 = tpu.dynamic_gather %add3A_228[%gather3A_449] in [0] : vector<16xi32>, vector<16xi32> -> vector<16xi32>
          %mul3A_451 = arith.constant 16 : i32
          %mul3A_452 = arith.muli %mul3A_451, %scan3A_167 : i32
          %add3A_453 = arith.constant 10 : i32
          %add3A_454 = arith.addi %mul3A_452, %add3A_453 : i32
          %eq3A_455 = arith.cmpi eq, %iota3A, %gather3A_450 : vector<16xi32>
          %select_n3A_456 = arith.select %eq3A_455, %broadcast_in_dim3A_4, %broadcast_in_dim3A_6 : vector<16xi1>, vector<16xi32>
          %swap3A_457 = arith.index_cast %add3A_454 : i32 to index
          %swap3A_458 = arith.constant 0 : index
          %swap3A_459 = tpu.vector_load %arg5[%swap3A_457, %swap3A_458] {strides = array<i32>} : memref<400x21xi32, #tpu.memory_space<vmem>>, vector<1x16xi32>,
          %swap3A_460 = vector.shape_cast %swap3A_459 : vector<1x16xi32> to vector<16xi32>
          %swap3A_461 = vector.shape_cast %select_n3A_456 : vector<16xi32> to vector<1x16xi32>
          tpu.vector_store %arg5[%swap3A_457, %swap3A_458], %swap3A_461 {strides = array<i32>} : memref<400x21xi32, #tpu.memory_space<vmem>>, vector<1x16xi32>,
          %eq3A_462 = arith.cmpi eq, %add3A_3, %gather3A_450 : vector<16xi32>
          %select_n3A_463 = arith.select %eq3A_462, %broadcast_in_dim3A_4, %broadcast_in_dim3A_6 : vector<16xi1>, vector<16xi32>
          %swap3A_464 = arith.index_cast %add3A_454 : i32 to index
          %swap3A_465 = arith.constant 5 : index
          %swap3A_466 = tpu.vector_load %arg5[%swap3A_464, %swap3A_465] {strides = array<i32>} : memref<400x21xi32, #tpu.memory_space<vmem>>, vector<1x16xi32>,
          %swap3A_467 = vector.shape_cast %swap3A_466 : vector<1x16xi32> to vector<16xi32>
          %swap3A_468 = vector.shape_cast %select_n3A_463 : vector<16xi32> to vector<1x16xi32>
          tpu.vector_store %arg5[%swap3A_464, %swap3A_465], %swap3A_468 {strides = array<i32>} : memref<400x21xi32, #tpu.memory_space<vmem>>, vector<1x16xi32>,
          %broadcast_in_dim3A_469 = arith.constant 11 : i32
          %broadcast_in_dim3A_470 = vector.broadcast %broadcast_in_dim3A_469 : i32 to vector<16x1xi32>
          %gather3A_471 = vector.shape_cast %broadcast_in_dim3A_470 : vector<16x1xi32> to vector<16xi32>
          %gather3A_472 = tpu.dynamic_gather %add3A_228[%gather3A_471] in [0] : vector<16xi32>, vector<16xi32> -> vector<16xi32>
          %mul3A_473 = arith.constant 16 : i32
          %mul3A_474 = arith.muli %mul3A_473, %scan3A_167 : i32
          %add3A_475 = arith.constant 11 : i32
          %add3A_476 = arith.addi %mul3A_474, %add3A_475 : i32
          %eq3A_477 = arith.cmpi eq, %iota3A, %gather3A_472 : vector<16xi32>
          %select_n3A_478 = arith.select %eq3A_477, %broadcast_in_dim3A_4, %broadcast_in_dim3A_6 : vector<16xi1>, vector<16xi32>
          %swap3A_479 = arith.index_cast %add3A_476 : i32 to index
          %swap3A_480 = arith.constant 0 : index
          %swap3A_481 = tpu.vector_load %arg5[%swap3A_479, %swap3A_480] {strides = array<i32>} : memref<400x21xi32, #tpu.memory_space<vmem>>, vector<1x16xi32>,
          %swap3A_482 = vector.shape_cast %swap3A_481 : vector<1x16xi32> to vector<16xi32>
          %swap3A_483 = vector.shape_cast %select_n3A_478 : vector<16xi32> to vector<1x16xi32>
          tpu.vector_store %arg5[%swap3A_479, %swap3A_480], %swap3A_483 {strides = array<i32>} : memref<400x21xi32, #tpu.memory_space<vmem>>, vector<1x16xi32>,
          %eq3A_484 = arith.cmpi eq, %add3A_3, %gather3A_472 : vector<16xi32>
          %select_n3A_485 = arith.select %eq3A_484, %broadcast_in_dim3A_4, %broadcast_in_dim3A_6 : vector<16xi1>, vector<16xi32>
          %swap3A_486 = arith.index_cast %add3A_476 : i32 to index
          %swap3A_487 = arith.constant 5 : index
          %swap3A_488 = tpu.vector_load %arg5[%swap3A_486, %swap3A_487] {strides = array<i32>} : memref<400x21xi32, #tpu.memory_space<vmem>>, vector<1x16xi32>,
          %swap3A_489 = vector.shape_cast %swap3A_488 : vector<1x16xi32> to vector<16xi32>
          %swap3A_490 = vector.shape_cast %select_n3A_485 : vector<16xi32> to vector<1x16xi32>
          tpu.vector_store %arg5[%swap3A_486, %swap3A_487], %swap3A_490 {strides = array<i32>} : memref<400x21xi32, #tpu.memory_space<vmem>>, vector<1x16xi32>,
          %broadcast_in_dim3A_491 = arith.constant 12 : i32
          %broadcast_in_dim3A_492 = vector.broadcast %broadcast_in_dim3A_491 : i32 to vector<16x1xi32>
          %gather3A_493 = vector.shape_cast %broadcast_in_dim3A_492 : vector<16x1xi32> to vector<16xi32>
          %gather3A_494 = tpu.dynamic_gather %add3A_228[%gather3A_493] in [0] : vector<16xi32>, vector<16xi32> -> vector<16xi32>
          %mul3A_495 = arith.constant 16 : i32
          %mul3A_496 = arith.muli %mul3A_495, %scan3A_167 : i32
          %add3A_497 = arith.constant 12 : i32
          %add3A_498 = arith.addi %mul3A_496, %add3A_497 : i32
          %eq3A_499 = arith.cmpi eq, %iota3A, %gather3A_494 : vector<16xi32>
          %select_n3A_500 = arith.select %eq3A_499, %broadcast_in_dim3A_4, %broadcast_in_dim3A_6 : vector<16xi1>, vector<16xi32>
          %swap3A_501 = arith.index_cast %add3A_498 : i32 to index
          %swap3A_502 = arith.constant 0 : index
          %swap3A_503 = tpu.vector_load %arg5[%swap3A_501, %swap3A_502] {strides = array<i32>} : memref<400x21xi32, #tpu.memory_space<vmem>>, vector<1x16xi32>,
          %swap3A_504 = vector.shape_cast %swap3A_503 : vector<1x16xi32> to vector<16xi32>
          %swap3A_505 = vector.shape_cast %select_n3A_500 : vector<16xi32> to vector<1x16xi32>
          tpu.vector_store %arg5[%swap3A_501, %swap3A_502], %swap3A_505 {strides = array<i32>} : memref<400x21xi32, #tpu.memory_space<vmem>>, vector<1x16xi32>,
          %eq3A_506 = arith.cmpi eq, %add3A_3, %gather3A_494 : vector<16xi32>
          %select_n3A_507 = arith.select %eq3A_506, %broadcast_in_dim3A_4, %broadcast_in_dim3A_6 : vector<16xi1>, vector<16xi32>
          %swap3A_508 = arith.index_cast %add3A_498 : i32 to index
          %swap3A_509 = arith.constant 5 : index
          %swap3A_510 = tpu.vector_load %arg5[%swap3A_508, %swap3A_509] {strides = array<i32>} : memref<400x21xi32, #tpu.memory_space<vmem>>, vector<1x16xi32>,
          %swap3A_511 = vector.shape_cast %swap3A_510 : vector<1x16xi32> to vector<16xi32>
          %swap3A_512 = vector.shape_cast %select_n3A_507 : vector<16xi32> to vector<1x16xi32>
          tpu.vector_store %arg5[%swap3A_508, %swap3A_509], %swap3A_512 {strides = array<i32>} : memref<400x21xi32, #tpu.memory_space<vmem>>, vector<1x16xi32>,
          %broadcast_in_dim3A_513 = arith.constant 13 : i32
          %broadcast_in_dim3A_514 = vector.broadcast %broadcast_in_dim3A_513 : i32 to vector<16x1xi32>
          %gather3A_515 = vector.shape_cast %broadcast_in_dim3A_514 : vector<16x1xi32> to vector<16xi32>
          %gather3A_516 = tpu.dynamic_gather %add3A_228[%gather3A_515] in [0] : vector<16xi32>, vector<16xi32> -> vector<16xi32>
          %mul3A_517 = arith.constant 16 : i32
          %mul3A_518 = arith.muli %mul3A_517, %scan3A_167 : i32
          %add3A_519 = arith.constant 13 : i32
          %add3A_520 = arith.addi %mul3A_518, %add3A_519 : i32
          %eq3A_521 = arith.cmpi eq, %iota3A, %gather3A_516 : vector<16xi32>
          %select_n3A_522 = arith.select %eq3A_521, %broadcast_in_dim3A_4, %broadcast_in_dim3A_6 : vector<16xi1>, vector<16xi32>
          %swap3A_523 = arith.index_cast %add3A_520 : i32 to index
          %swap3A_524 = arith.constant 0 : index
          %swap3A_525 = tpu.vector_load %arg5[%swap3A_523, %swap3A_524] {strides = array<i32>} : memref<400x21xi32, #tpu.memory_space<vmem>>, vector<1x16xi32>,
          %swap3A_526 = vector.shape_cast %swap3A_525 : vector<1x16xi32> to vector<16xi32>
          %swap3A_527 = vector.shape_cast %select_n3A_522 : vector<16xi32> to vector<1x16xi32>
          tpu.vector_store %arg5[%swap3A_523, %swap3A_524], %swap3A_527 {strides = array<i32>} : memref<400x21xi32, #tpu.memory_space<vmem>>, vector<1x16xi32>,
          %eq3A_528 = arith.cmpi eq, %add3A_3, %gather3A_516 : vector<16xi32>
          %select_n3A_529 = arith.select %eq3A_528, %broadcast_in_dim3A_4, %broadcast_in_dim3A_6 : vector<16xi1>, vector<16xi32>
          %swap3A_530 = arith.index_cast %add3A_520 : i32 to index
          %swap3A_531 = arith.constant 5 : index
          %swap3A_532 = tpu.vector_load %arg5[%swap3A_530, %swap3A_531] {strides = array<i32>} : memref<400x21xi32, #tpu.memory_space<vmem>>, vector<1x16xi32>,
          %swap3A_533 = vector.shape_cast %swap3A_532 : vector<1x16xi32> to vector<16xi32>
          %swap3A_534 = vector.shape_cast %select_n3A_529 : vector<16xi32> to vector<1x16xi32>
          tpu.vector_store %arg5[%swap3A_530, %swap3A_531], %swap3A_534 {strides = array<i32>} : memref<400x21xi32, #tpu.memory_space<vmem>>, vector<1x16xi32>,
          %broadcast_in_dim3A_535 = arith.constant 14 : i32
          %broadcast_in_dim3A_536 = vector.broadcast %broadcast_in_dim3A_535 : i32 to vector<16x1xi32>
          %gather3A_537 = vector.shape_cast %broadcast_in_dim3A_536 : vector<16x1xi32> to vector<16xi32>
          %gather3A_538 = tpu.dynamic_gather %add3A_228[%gather3A_537] in [0] : vector<16xi32>, vector<16xi32> -> vector<16xi32>
          %mul3A_539 = arith.constant 16 : i32
          %mul3A_540 = arith.muli %mul3A_539, %scan3A_167 : i32
          %add3A_541 = arith.constant 14 : i32
          %add3A_542 = arith.addi %mul3A_540, %add3A_541 : i32
          %eq3A_543 = arith.cmpi eq, %iota3A, %gather3A_538 : vector<16xi32>
          %select_n3A_544 = arith.select %eq3A_543, %broadcast_in_dim3A_4, %broadcast_in_dim3A_6 : vector<16xi1>, vector<16xi32>
          %swap3A_545 = arith.index_cast %add3A_542 : i32 to index
          %swap3A_546 = arith.constant 0 : index
          %swap3A_547 = tpu.vector_load %arg5[%swap3A_545, %swap3A_546] {strides = array<i32>} : memref<400x21xi32, #tpu.memory_space<vmem>>, vector<1x16xi32>,
          %swap3A_548 = vector.shape_cast %swap3A_547 : vector<1x16xi32> to vector<16xi32>
          %swap3A_549 = vector.shape_cast %select_n3A_544 : vector<16xi32> to vector<1x16xi32>
          tpu.vector_store %arg5[%swap3A_545, %swap3A_546], %swap3A_549 {strides = array<i32>} : memref<400x21xi32, #tpu.memory_space<vmem>>, vector<1x16xi32>,
          %eq3A_550 = arith.cmpi eq, %add3A_3, %gather3A_538 : vector<16xi32>
          %select_n3A_551 = arith.select %eq3A_550, %broadcast_in_dim3A_4, %broadcast_in_dim3A_6 : vector<16xi1>, vector<16xi32>
          %swap3A_552 = arith.index_cast %add3A_542 : i32 to index
          %swap3A_553 = arith.constant 5 : index
          %swap3A_554 = tpu.vector_load %arg5[%swap3A_552, %swap3A_553] {strides = array<i32>} : memref<400x21xi32, #tpu.memory_space<vmem>>, vector<1x16xi32>,
          %swap3A_555 = vector.shape_cast %swap3A_554 : vector<1x16xi32> to vector<16xi32>
          %swap3A_556 = vector.shape_cast %select_n3A_551 : vector<16xi32> to vector<1x16xi32>
          tpu.vector_store %arg5[%swap3A_552, %swap3A_553], %swap3A_556 {strides = array<i32>} : memref<400x21xi32, #tpu.memory_space<vmem>>, vector<1x16xi32>,
          %broadcast_in_dim3A_557 = arith.constant 15 : i32
          %broadcast_in_dim3A_558 = vector.broadcast %broadcast_in_dim3A_557 : i32 to vector<16x1xi32>
          %gather3A_559 = vector.shape_cast %broadcast_in_dim3A_558 : vector<16x1xi32> to vector<16xi32>
          %gather3A_560 = tpu.dynamic_gather %add3A_228[%gather3A_559] in [0] : vector<16xi32>, vector<16xi32> -> vector<16xi32>
          %mul3A_561 = arith.constant 16 : i32
          %mul3A_562 = arith.muli %mul3A_561, %scan3A_167 : i32
          %add3A_563 = arith.constant 15 : i32
          %add3A_564 = arith.addi %mul3A_562, %add3A_563 : i32
          %eq3A_565 = arith.cmpi eq, %iota3A, %gather3A_560 : vector<16xi32>
          %select_n3A_566 = arith.select %eq3A_565, %broadcast_in_dim3A_4, %broadcast_in_dim3A_6 : vector<16xi1>, vector<16xi32>
          %swap3A_567 = arith.index_cast %add3A_564 : i32 to index
          %swap3A_568 = arith.constant 0 : index
          %swap3A_569 = tpu.vector_load %arg5[%swap3A_567, %swap3A_568] {strides = array<i32>} : memref<400x21xi32, #tpu.memory_space<vmem>>, vector<1x16xi32>,
          %swap3A_570 = vector.shape_cast %swap3A_569 : vector<1x16xi32> to vector<16xi32>
          %swap3A_571 = vector.shape_cast %select_n3A_566 : vector<16xi32> to vector<1x16xi32>
          tpu.vector_store %arg5[%swap3A_567, %swap3A_568], %swap3A_571 {strides = array<i32>} : memref<400x21xi32, #tpu.memory_space<vmem>>, vector<1x16xi32>,
          %eq3A_572 = arith.cmpi eq, %add3A_3, %gather3A_560 : vector<16xi32>
          %select_n3A_573 = arith.select %eq3A_572, %broadcast_in_dim3A_4, %broadcast_in_dim3A_6 : vector<16xi1>, vector<16xi32>
          %swap3A_574 = arith.index_cast %add3A_564 : i32 to index
          %swap3A_575 = arith.constant 5 : index
          %swap3A_576 = tpu.vector_load %arg5[%swap3A_574, %swap3A_575] {strides = array<i32>} : memref<400x21xi32, #tpu.memory_space<vmem>>, vector<1x16xi32>,
          %swap3A_577 = vector.shape_cast %swap3A_576 : vector<1x16xi32> to vector<16xi32>
          %swap3A_578 = vector.shape_cast %select_n3A_573 : vector<16xi32> to vector<1x16xi32>
          tpu.vector_store %arg5[%swap3A_574, %swap3A_575], %swap3A_578 {strides = array<i32>} : memref<400x21xi32, #tpu.memory_space<vmem>>, vector<1x16xi32>,
        }
        %scan3A_160 = arith.constant 25 : i32
        %mul3A_161 = arith.constant 400 : i32
        %mul3A_162 = arith.muli %add3A_109, %mul3A_161 : i32
        %dma_start3A_163 = arith.constant 0 : i32
        %dma_start3A_164 = tpu.memref_slice %arg4[%mul3A_162, %dma_start3A_163] : memref<1000000x21xi32, #tpu.memory_space<hbm>> -> memref<400x21xi32, #tpu.memory_space<hbm>>
        %dma_start3A_165 = arith.constant 0 : i32
        %dma_start3A_166 = tpu.memref_slice %arg4[%mul3A_162, %dma_start3A_165] : memref<1000000x21xi32, #tpu.memory_space<hbm>> -> memref<400x21xi32, #tpu.memory_space<hbm>>
        tpu.enqueue_dma source(%arg5 : memref<400x21xi32, #tpu.memory_space<vmem>>) target(%dma_start3A_166 : memref<400x21xi32, #tpu.memory_space<hbm>>) target_semaphore(%arg10 : memref<!tpu.dma_semaphore, #tpu.memory_space<semaphore_mem>>)
      } else {
      }
      %add3A_130 = arith.constant 32 : i32
      %add3A_131 = arith.addi %add3A_111, %add3A_130 : i32
      %lt3A_132 = arith.constant 2500 : i32
      %lt3A_133 = arith.cmpi slt, %add3A_131, %lt3A_132 : i32
      %convert_element_type3A_134 = arith.extui %lt3A_133 : i1 to i32
      %cond3A_135 = arith.constant 0 : i32
      %cond3A_136 = arith.cmpi ne, %convert_element_type3A_134, %cond3A_135 : i32
      scf.if %cond3A_136 {
        %add3A_155 = arith.constant 32 : i32
        %add3A_156 = arith.addi %add3A_111, %add3A_155 : i32
        %mul3A_157 = arith.constant 400 : i32
        %mul3A_158 = arith.muli %add3A_156, %mul3A_157 : i32
        %dma_start3A_159 = tpu.memref_slice %arg2[%mul3A_158] : memref<1000000xf32, #tpu.memory_space<hbm>> -> memref<400xf32, #tpu.memory_space<hbm>>
        %dma_start3A_160 = tpu.memref_slice %arg2[%mul3A_158] : memref<1000000xf32, #tpu.memory_space<hbm>> -> memref<400xf32, #tpu.memory_space<hbm>>
        tpu.enqueue_dma source(%dma_start3A_160 : memref<400xf32, #tpu.memory_space<hbm>>) target(%arg7 : memref<400xf32, #tpu.memory_space<vmem>>) target_semaphore(%arg12 : memref<!tpu.dma_semaphore, #tpu.memory_space<semaphore_mem>>)
      } else {
      }
      %lt3A_137 = arith.constant 2500 : i32
      %lt3A_138 = arith.cmpi slt, %add3A_111, %lt3A_137 : i32
      %convert_element_type3A_139 = arith.extui %lt3A_138 : i1 to i32
      %cond3A_140 = arith.constant 0 : i32
      %cond3A_141 = arith.cmpi ne, %convert_element_type3A_139, %cond3A_140 : i32
      scf.if %cond3A_141 {
        %dma_wait3A_155 = arith.constant 0 : i32
        %dma_wait3A_156 = tpu.memref_slice %arg2[%dma_wait3A_155] : memref<1000000xf32, #tpu.memory_space<hbm>> -> memref<400xf32, #tpu.memory_space<hbm>>
        %dma_wait3A_157 = arith.constant 0 : i32
        %dma_wait3A_158 = tpu.memref_slice %arg2[%dma_wait3A_157] : memref<1000000xf32, #tpu.memory_space<hbm>> -> memref<400xf32, #tpu.memory_space<hbm>>
        tpu.wait_dma2 semaphore(%arg13 : memref<!tpu.dma_semaphore, #tpu.memory_space<semaphore_mem>>) src(%dma_wait3A_158 : memref<400xf32, #tpu.memory_space<hbm>>) dst(%arg8 : memref<400xf32, #tpu.memory_space<vmem>>)
      } else {
      }
      %gt3A_142 = arith.constant 0 : i32
      %gt3A_143 = arith.cmpi sgt, %scan3A_106, %gt3A_142 : i32
      %lt3A_144 = arith.constant 2500 : i32
      %lt3A_145 = arith.cmpi slt, %add3A_111, %lt3A_144 : i32
      %and3A_146 = arith.andi %gt3A_143, %lt3A_145 : i1
      %convert_element_type3A_147 = arith.extui %and3A_146 : i1 to i32
      %cond3A_148 = arith.constant 0 : i32
      %cond3A_149 = arith.cmpi ne, %convert_element_type3A_147, %cond3A_148 : i32
      scf.if %cond3A_149 {
        %dma_wait3A_155 = arith.constant 0 : i32
        %dma_wait3A_156 = arith.constant 0 : i32
        %dma_wait3A_157 = tpu.memref_slice %arg4[%dma_wait3A_155, %dma_wait3A_156] : memref<1000000x21xi32, #tpu.memory_space<hbm>> -> memref<400x21xi32, #tpu.memory_space<hbm>>
        %dma_wait3A_158 = arith.constant 0 : i32
        %dma_wait3A_159 = arith.constant 0 : i32
        %dma_wait3A_160 = tpu.memref_slice %arg4[%dma_wait3A_158, %dma_wait3A_159] : memref<1000000x21xi32, #tpu.memory_space<hbm>> -> memref<400x21xi32, #tpu.memory_space<hbm>>
        tpu.wait_dma2 semaphore(%arg11 : memref<!tpu.dma_semaphore, #tpu.memory_space<semaphore_mem>>) src(%arg6 : memref<400x21xi32, #tpu.memory_space<vmem>>) dst(%dma_wait3A_160 : memref<400x21xi32, #tpu.memory_space<hbm>>)
      } else {
      }
      %lt3A_150 = arith.constant 2500 : i32
      %lt3A_151 = arith.cmpi slt, %add3A_111, %lt3A_150 : i32
      %convert_element_type3A_152 = arith.extui %lt3A_151 : i1 to i32
      %cond3A_153 = arith.constant 0 : i32
      %cond3A_154 = arith.cmpi ne, %convert_element_type3A_152, %cond3A_153 : i32
      scf.if %cond3A_154 {
        %scan3A_155 = arith.constant 0 : i32
        %scan3A_156 = arith.constant 0 : i32
        %scan3A_157 = arith.constant 25 : i32
        %scan3A_158 = arith.addi %scan3A_156, %scan3A_157 : i32
        %scan3A_159 = arith.constant 1 : i32
        scf.for %scan3A_167 = %scan3A_156 to %scan3A_158 step %scan3A_159  : i32 {
          %mul3A_168 = arith.constant 16 : i32
          %mul3A_169 = arith.muli %mul3A_168, %scan3A_167 : i32
          %get3A_170 = arith.index_cast %mul3A_169 : i32 to index
          %get3A_171 = tpu.vector_load %arg8[%get3A_170] {strides = array<i32>} : memref<400xf32, #tpu.memory_space<vmem>>, vector<16xf32>,
          %get3A_172 = vector.shape_cast %get3A_171 : vector<16xf32> to vector<16xf32>
          %gt3A_173 = arith.cmpf ogt, %get3A_172, %gather3A_14 : vector<16xf32>
          %select_n3A = arith.select %gt3A_173, %broadcast_in_dim3A_4, %broadcast_in_dim3A_6 : vector<16xi1>, vector<16xi32>
          %add3A_174 = arith.addi %broadcast_in_dim3A_6, %select_n3A : vector<16xi32>
          %gt3A_175 = arith.cmpf ogt, %get3A_172, %gather3A_18 : vector<16xf32>
          %select_n3A_176 = arith.select %gt3A_175, %broadcast_in_dim3A_4, %broadcast_in_dim3A_6 : vector<16xi1>, vector<16xi32>
          %add3A_177 = arith.addi %add3A_174, %select_n3A_176 : vector<16xi32>
          %gt3A_178 = arith.cmpf ogt, %get3A_172, %gather3A_22 : vector<16xf32>
          %select_n3A_179 = arith.select %gt3A_178, %broadcast_in_dim3A_4, %broadcast_in_dim3A_6 : vector<16xi1>, vector<16xi32>
          %add3A_180 = arith.addi %add3A_177, %select_n3A_179 : vector<16xi32>
          %gt3A_181 = arith.cmpf ogt, %get3A_172, %gather3A_26 : vector<16xf32>
          %select_n3A_182 = arith.select %gt3A_181, %broadcast_in_dim3A_4, %broadcast_in_dim3A_6 : vector<16xi1>, vector<16xi32>
          %add3A_183 = arith.addi %add3A_180, %select_n3A_182 : vector<16xi32>
          %gt3A_184 = arith.cmpf ogt, %get3A_172, %gather3A_30 : vector<16xf32>
          %select_n3A_185 = arith.select %gt3A_184, %broadcast_in_dim3A_4, %broadcast_in_dim3A_6 : vector<16xi1>, vector<16xi32>
          %add3A_186 = arith.addi %add3A_183, %select_n3A_185 : vector<16xi32>
          %gt3A_187 = arith.cmpf ogt, %get3A_172, %gather3A_34 : vector<16xf32>
          %select_n3A_188 = arith.select %gt3A_187, %broadcast_in_dim3A_4, %broadcast_in_dim3A_6 : vector<16xi1>, vector<16xi32>
          %add3A_189 = arith.addi %add3A_186, %select_n3A_188 : vector<16xi32>
          %gt3A_190 = arith.cmpf ogt, %get3A_172, %gather3A_38 : vector<16xf32>
          %select_n3A_191 = arith.select %gt3A_190, %broadcast_in_dim3A_4, %broadcast_in_dim3A_6 : vector<16xi1>, vector<16xi32>
          %add3A_192 = arith.addi %add3A_189, %select_n3A_191 : vector<16xi32>
          %gt3A_193 = arith.cmpf ogt, %get3A_172, %gather3A_42 : vector<16xf32>
          %select_n3A_194 = arith.select %gt3A_193, %broadcast_in_dim3A_4, %broadcast_in_dim3A_6 : vector<16xi1>, vector<16xi32>
          %add3A_195 = arith.addi %add3A_192, %select_n3A_194 : vector<16xi32>
          %gt3A_196 = arith.cmpf ogt, %get3A_172, %gather3A_46 : vector<16xf32>
          %select_n3A_197 = arith.select %gt3A_196, %broadcast_in_dim3A_4, %broadcast_in_dim3A_6 : vector<16xi1>, vector<16xi32>
          %add3A_198 = arith.addi %add3A_195, %select_n3A_197 : vector<16xi32>
          %gt3A_199 = arith.cmpf ogt, %get3A_172, %gather3A_50 : vector<16xf32>
          %select_n3A_200 = arith.select %gt3A_199, %broadcast_in_dim3A_4, %broadcast_in_dim3A_6 : vector<16xi1>, vector<16xi32>
          %add3A_201 = arith.addi %add3A_198, %select_n3A_200 : vector<16xi32>
          %gt3A_202 = arith.cmpf ogt, %get3A_172, %gather3A_54 : vector<16xf32>
          %select_n3A_203 = arith.select %gt3A_202, %broadcast_in_dim3A_4, %broadcast_in_dim3A_6 : vector<16xi1>, vector<16xi32>
          %add3A_204 = arith.addi %add3A_201, %select_n3A_203 : vector<16xi32>
          %gt3A_205 = arith.cmpf ogt, %get3A_172, %gather3A_58 : vector<16xf32>
          %select_n3A_206 = arith.select %gt3A_205, %broadcast_in_dim3A_4, %broadcast_in_dim3A_6 : vector<16xi1>, vector<16xi32>
          %add3A_207 = arith.addi %add3A_204, %select_n3A_206 : vector<16xi32>
          %gt3A_208 = arith.cmpf ogt, %get3A_172, %gather3A_62 : vector<16xf32>
          %select_n3A_209 = arith.select %gt3A_208, %broadcast_in_dim3A_4, %broadcast_in_dim3A_6 : vector<16xi1>, vector<16xi32>
          %add3A_210 = arith.addi %add3A_207, %select_n3A_209 : vector<16xi32>
          %gt3A_211 = arith.cmpf ogt, %get3A_172, %gather3A_66 : vector<16xf32>
          %select_n3A_212 = arith.select %gt3A_211, %broadcast_in_dim3A_4, %broadcast_in_dim3A_6 : vector<16xi1>, vector<16xi32>
          %add3A_213 = arith.addi %add3A_210, %select_n3A_212 : vector<16xi32>
          %gt3A_214 = arith.cmpf ogt, %get3A_172, %gather3A_70 : vector<16xf32>
          %select_n3A_215 = arith.select %gt3A_214, %broadcast_in_dim3A_4, %broadcast_in_dim3A_6 : vector<16xi1>, vector<16xi32>
          %add3A_216 = arith.addi %add3A_213, %select_n3A_215 : vector<16xi32>
          %gt3A_217 = arith.cmpf ogt, %get3A_172, %gather3A_74 : vector<16xf32>
          %select_n3A_218 = arith.select %gt3A_217, %broadcast_in_dim3A_4, %broadcast_in_dim3A_6 : vector<16xi1>, vector<16xi32>
          %add3A_219 = arith.addi %add3A_216, %select_n3A_218 : vector<16xi32>
          %gt3A_220 = arith.cmpf ogt, %get3A_172, %gather3A_78 : vector<16xf32>
          %select_n3A_221 = arith.select %gt3A_220, %broadcast_in_dim3A_4, %broadcast_in_dim3A_6 : vector<16xi1>, vector<16xi32>
          %add3A_222 = arith.addi %add3A_219, %select_n3A_221 : vector<16xi32>
          %gt3A_223 = arith.cmpf ogt, %get3A_172, %gather3A_82 : vector<16xf32>
          %select_n3A_224 = arith.select %gt3A_223, %broadcast_in_dim3A_4, %broadcast_in_dim3A_6 : vector<16xi1>, vector<16xi32>
          %add3A_225 = arith.addi %add3A_222, %select_n3A_224 : vector<16xi32>
          %gt3A_226 = arith.cmpf ogt, %get3A_172, %gather3A_86 : vector<16xf32>
          %select_n3A_227 = arith.select %gt3A_226, %broadcast_in_dim3A_4, %broadcast_in_dim3A_6 : vector<16xi1>, vector<16xi32>
          %add3A_228 = arith.addi %add3A_225, %select_n3A_227 : vector<16xi32>
          %broadcast_in_dim3A_229 = arith.constant 0 : i32
          %broadcast_in_dim3A_230 = vector.broadcast %broadcast_in_dim3A_229 : i32 to vector<16x1xi32>
          %gather3A_231 = vector.shape_cast %broadcast_in_dim3A_230 : vector<16x1xi32> to vector<16xi32>
          %gather3A_232 = tpu.dynamic_gather %add3A_228[%gather3A_231] in [0] : vector<16xi32>, vector<16xi32> -> vector<16xi32>
          %mul3A_233 = arith.constant 16 : i32
          %mul3A_234 = arith.muli %mul3A_233, %scan3A_167 : i32
          %add3A_235 = arith.constant 0 : i32
          %add3A_236 = arith.addi %mul3A_234, %add3A_235 : i32
          %eq3A = arith.cmpi eq, %iota3A, %gather3A_232 : vector<16xi32>
          %select_n3A_237 = arith.select %eq3A, %broadcast_in_dim3A_4, %broadcast_in_dim3A_6 : vector<16xi1>, vector<16xi32>
          %swap3A = arith.index_cast %add3A_236 : i32 to index
          %swap3A_238 = arith.constant 0 : index
          %swap3A_239 = tpu.vector_load %arg6[%swap3A, %swap3A_238] {strides = array<i32>} : memref<400x21xi32, #tpu.memory_space<vmem>>, vector<1x16xi32>,
          %swap3A_240 = vector.shape_cast %swap3A_239 : vector<1x16xi32> to vector<16xi32>
          %swap3A_241 = vector.shape_cast %select_n3A_237 : vector<16xi32> to vector<1x16xi32>
          tpu.vector_store %arg6[%swap3A, %swap3A_238], %swap3A_241 {strides = array<i32>} : memref<400x21xi32, #tpu.memory_space<vmem>>, vector<1x16xi32>,
          %eq3A_242 = arith.cmpi eq, %add3A_3, %gather3A_232 : vector<16xi32>
          %select_n3A_243 = arith.select %eq3A_242, %broadcast_in_dim3A_4, %broadcast_in_dim3A_6 : vector<16xi1>, vector<16xi32>
          %swap3A_244 = arith.index_cast %add3A_236 : i32 to index
          %swap3A_245 = arith.constant 5 : index
          %swap3A_246 = tpu.vector_load %arg6[%swap3A_244, %swap3A_245] {strides = array<i32>} : memref<400x21xi32, #tpu.memory_space<vmem>>, vector<1x16xi32>,
          %swap3A_247 = vector.shape_cast %swap3A_246 : vector<1x16xi32> to vector<16xi32>
          %swap3A_248 = vector.shape_cast %select_n3A_243 : vector<16xi32> to vector<1x16xi32>
          tpu.vector_store %arg6[%swap3A_244, %swap3A_245], %swap3A_248 {strides = array<i32>} : memref<400x21xi32, #tpu.memory_space<vmem>>, vector<1x16xi32>,
          %broadcast_in_dim3A_249 = arith.constant 1 : i32
          %broadcast_in_dim3A_250 = vector.broadcast %broadcast_in_dim3A_249 : i32 to vector<16x1xi32>
          %gather3A_251 = vector.shape_cast %broadcast_in_dim3A_250 : vector<16x1xi32> to vector<16xi32>
          %gather3A_252 = tpu.dynamic_gather %add3A_228[%gather3A_251] in [0] : vector<16xi32>, vector<16xi32> -> vector<16xi32>
          %mul3A_253 = arith.constant 16 : i32
          %mul3A_254 = arith.muli %mul3A_253, %scan3A_167 : i32
          %add3A_255 = arith.constant 1 : i32
          %add3A_256 = arith.addi %mul3A_254, %add3A_255 : i32
          %eq3A_257 = arith.cmpi eq, %iota3A, %gather3A_252 : vector<16xi32>
          %select_n3A_258 = arith.select %eq3A_257, %broadcast_in_dim3A_4, %broadcast_in_dim3A_6 : vector<16xi1>, vector<16xi32>
          %swap3A_259 = arith.index_cast %add3A_256 : i32 to index
          %swap3A_260 = arith.constant 0 : index
          %swap3A_261 = tpu.vector_load %arg6[%swap3A_259, %swap3A_260] {strides = array<i32>} : memref<400x21xi32, #tpu.memory_space<vmem>>, vector<1x16xi32>,
          %swap3A_262 = vector.shape_cast %swap3A_261 : vector<1x16xi32> to vector<16xi32>
          %swap3A_263 = vector.shape_cast %select_n3A_258 : vector<16xi32> to vector<1x16xi32>
          tpu.vector_store %arg6[%swap3A_259, %swap3A_260], %swap3A_263 {strides = array<i32>} : memref<400x21xi32, #tpu.memory_space<vmem>>, vector<1x16xi32>,
          %eq3A_264 = arith.cmpi eq, %add3A_3, %gather3A_252 : vector<16xi32>
          %select_n3A_265 = arith.select %eq3A_264, %broadcast_in_dim3A_4, %broadcast_in_dim3A_6 : vector<16xi1>, vector<16xi32>
          %swap3A_266 = arith.index_cast %add3A_256 : i32 to index
          %swap3A_267 = arith.constant 5 : index
          %swap3A_268 = tpu.vector_load %arg6[%swap3A_266, %swap3A_267] {strides = array<i32>} : memref<400x21xi32, #tpu.memory_space<vmem>>, vector<1x16xi32>,
          %swap3A_269 = vector.shape_cast %swap3A_268 : vector<1x16xi32> to vector<16xi32>
          %swap3A_270 = vector.shape_cast %select_n3A_265 : vector<16xi32> to vector<1x16xi32>
          tpu.vector_store %arg6[%swap3A_266, %swap3A_267], %swap3A_270 {strides = array<i32>} : memref<400x21xi32, #tpu.memory_space<vmem>>, vector<1x16xi32>,
          %broadcast_in_dim3A_271 = arith.constant 2 : i32
          %broadcast_in_dim3A_272 = vector.broadcast %broadcast_in_dim3A_271 : i32 to vector<16x1xi32>
          %gather3A_273 = vector.shape_cast %broadcast_in_dim3A_272 : vector<16x1xi32> to vector<16xi32>
          %gather3A_274 = tpu.dynamic_gather %add3A_228[%gather3A_273] in [0] : vector<16xi32>, vector<16xi32> -> vector<16xi32>
          %mul3A_275 = arith.constant 16 : i32
          %mul3A_276 = arith.muli %mul3A_275, %scan3A_167 : i32
          %add3A_277 = arith.constant 2 : i32
          %add3A_278 = arith.addi %mul3A_276, %add3A_277 : i32
          %eq3A_279 = arith.cmpi eq, %iota3A, %gather3A_274 : vector<16xi32>
          %select_n3A_280 = arith.select %eq3A_279, %broadcast_in_dim3A_4, %broadcast_in_dim3A_6 : vector<16xi1>, vector<16xi32>
          %swap3A_281 = arith.index_cast %add3A_278 : i32 to index
          %swap3A_282 = arith.constant 0 : index
          %swap3A_283 = tpu.vector_load %arg6[%swap3A_281, %swap3A_282] {strides = array<i32>} : memref<400x21xi32, #tpu.memory_space<vmem>>, vector<1x16xi32>,
          %swap3A_284 = vector.shape_cast %swap3A_283 : vector<1x16xi32> to vector<16xi32>
          %swap3A_285 = vector.shape_cast %select_n3A_280 : vector<16xi32> to vector<1x16xi32>
          tpu.vector_store %arg6[%swap3A_281, %swap3A_282], %swap3A_285 {strides = array<i32>} : memref<400x21xi32, #tpu.memory_space<vmem>>, vector<1x16xi32>,
          %eq3A_286 = arith.cmpi eq, %add3A_3, %gather3A_274 : vector<16xi32>
          %select_n3A_287 = arith.select %eq3A_286, %broadcast_in_dim3A_4, %broadcast_in_dim3A_6 : vector<16xi1>, vector<16xi32>
          %swap3A_288 = arith.index_cast %add3A_278 : i32 to index
          %swap3A_289 = arith.constant 5 : index
          %swap3A_290 = tpu.vector_load %arg6[%swap3A_288, %swap3A_289] {strides = array<i32>} : memref<400x21xi32, #tpu.memory_space<vmem>>, vector<1x16xi32>,
          %swap3A_291 = vector.shape_cast %swap3A_290 : vector<1x16xi32> to vector<16xi32>
          %swap3A_292 = vector.shape_cast %select_n3A_287 : vector<16xi32> to vector<1x16xi32>
          tpu.vector_store %arg6[%swap3A_288, %swap3A_289], %swap3A_292 {strides = array<i32>} : memref<400x21xi32, #tpu.memory_space<vmem>>, vector<1x16xi32>,
          %broadcast_in_dim3A_293 = arith.constant 3 : i32
          %broadcast_in_dim3A_294 = vector.broadcast %broadcast_in_dim3A_293 : i32 to vector<16x1xi32>
          %gather3A_295 = vector.shape_cast %broadcast_in_dim3A_294 : vector<16x1xi32> to vector<16xi32>
          %gather3A_296 = tpu.dynamic_gather %add3A_228[%gather3A_295] in [0] : vector<16xi32>, vector<16xi32> -> vector<16xi32>
          %mul3A_297 = arith.constant 16 : i32
          %mul3A_298 = arith.muli %mul3A_297, %scan3A_167 : i32
          %add3A_299 = arith.constant 3 : i32
          %add3A_300 = arith.addi %mul3A_298, %add3A_299 : i32
          %eq3A_301 = arith.cmpi eq, %iota3A, %gather3A_296 : vector<16xi32>
          %select_n3A_302 = arith.select %eq3A_301, %broadcast_in_dim3A_4, %broadcast_in_dim3A_6 : vector<16xi1>, vector<16xi32>
          %swap3A_303 = arith.index_cast %add3A_300 : i32 to index
          %swap3A_304 = arith.constant 0 : index
          %swap3A_305 = tpu.vector_load %arg6[%swap3A_303, %swap3A_304] {strides = array<i32>} : memref<400x21xi32, #tpu.memory_space<vmem>>, vector<1x16xi32>,
          %swap3A_306 = vector.shape_cast %swap3A_305 : vector<1x16xi32> to vector<16xi32>
          %swap3A_307 = vector.shape_cast %select_n3A_302 : vector<16xi32> to vector<1x16xi32>
          tpu.vector_store %arg6[%swap3A_303, %swap3A_304], %swap3A_307 {strides = array<i32>} : memref<400x21xi32, #tpu.memory_space<vmem>>, vector<1x16xi32>,
          %eq3A_308 = arith.cmpi eq, %add3A_3, %gather3A_296 : vector<16xi32>
          %select_n3A_309 = arith.select %eq3A_308, %broadcast_in_dim3A_4, %broadcast_in_dim3A_6 : vector<16xi1>, vector<16xi32>
          %swap3A_310 = arith.index_cast %add3A_300 : i32 to index
          %swap3A_311 = arith.constant 5 : index
          %swap3A_312 = tpu.vector_load %arg6[%swap3A_310, %swap3A_311] {strides = array<i32>} : memref<400x21xi32, #tpu.memory_space<vmem>>, vector<1x16xi32>,
          %swap3A_313 = vector.shape_cast %swap3A_312 : vector<1x16xi32> to vector<16xi32>
          %swap3A_314 = vector.shape_cast %select_n3A_309 : vector<16xi32> to vector<1x16xi32>
          tpu.vector_store %arg6[%swap3A_310, %swap3A_311], %swap3A_314 {strides = array<i32>} : memref<400x21xi32, #tpu.memory_space<vmem>>, vector<1x16xi32>,
          %broadcast_in_dim3A_315 = arith.constant 4 : i32
          %broadcast_in_dim3A_316 = vector.broadcast %broadcast_in_dim3A_315 : i32 to vector<16x1xi32>
          %gather3A_317 = vector.shape_cast %broadcast_in_dim3A_316 : vector<16x1xi32> to vector<16xi32>
          %gather3A_318 = tpu.dynamic_gather %add3A_228[%gather3A_317] in [0] : vector<16xi32>, vector<16xi32> -> vector<16xi32>
          %mul3A_319 = arith.constant 16 : i32
          %mul3A_320 = arith.muli %mul3A_319, %scan3A_167 : i32
          %add3A_321 = arith.constant 4 : i32
          %add3A_322 = arith.addi %mul3A_320, %add3A_321 : i32
          %eq3A_323 = arith.cmpi eq, %iota3A, %gather3A_318 : vector<16xi32>
          %select_n3A_324 = arith.select %eq3A_323, %broadcast_in_dim3A_4, %broadcast_in_dim3A_6 : vector<16xi1>, vector<16xi32>
          %swap3A_325 = arith.index_cast %add3A_322 : i32 to index
          %swap3A_326 = arith.constant 0 : index
          %swap3A_327 = tpu.vector_load %arg6[%swap3A_325, %swap3A_326] {strides = array<i32>} : memref<400x21xi32, #tpu.memory_space<vmem>>, vector<1x16xi32>,
          %swap3A_328 = vector.shape_cast %swap3A_327 : vector<1x16xi32> to vector<16xi32>
          %swap3A_329 = vector.shape_cast %select_n3A_324 : vector<16xi32> to vector<1x16xi32>
          tpu.vector_store %arg6[%swap3A_325, %swap3A_326], %swap3A_329 {strides = array<i32>} : memref<400x21xi32, #tpu.memory_space<vmem>>, vector<1x16xi32>,
          %eq3A_330 = arith.cmpi eq, %add3A_3, %gather3A_318 : vector<16xi32>
          %select_n3A_331 = arith.select %eq3A_330, %broadcast_in_dim3A_4, %broadcast_in_dim3A_6 : vector<16xi1>, vector<16xi32>
          %swap3A_332 = arith.index_cast %add3A_322 : i32 to index
          %swap3A_333 = arith.constant 5 : index
          %swap3A_334 = tpu.vector_load %arg6[%swap3A_332, %swap3A_333] {strides = array<i32>} : memref<400x21xi32, #tpu.memory_space<vmem>>, vector<1x16xi32>,
          %swap3A_335 = vector.shape_cast %swap3A_334 : vector<1x16xi32> to vector<16xi32>
          %swap3A_336 = vector.shape_cast %select_n3A_331 : vector<16xi32> to vector<1x16xi32>
          tpu.vector_store %arg6[%swap3A_332, %swap3A_333], %swap3A_336 {strides = array<i32>} : memref<400x21xi32, #tpu.memory_space<vmem>>, vector<1x16xi32>,
          %broadcast_in_dim3A_337 = arith.constant 5 : i32
          %broadcast_in_dim3A_338 = vector.broadcast %broadcast_in_dim3A_337 : i32 to vector<16x1xi32>
          %gather3A_339 = vector.shape_cast %broadcast_in_dim3A_338 : vector<16x1xi32> to vector<16xi32>
          %gather3A_340 = tpu.dynamic_gather %add3A_228[%gather3A_339] in [0] : vector<16xi32>, vector<16xi32> -> vector<16xi32>
          %mul3A_341 = arith.constant 16 : i32
          %mul3A_342 = arith.muli %mul3A_341, %scan3A_167 : i32
          %add3A_343 = arith.constant 5 : i32
          %add3A_344 = arith.addi %mul3A_342, %add3A_343 : i32
          %eq3A_345 = arith.cmpi eq, %iota3A, %gather3A_340 : vector<16xi32>
          %select_n3A_346 = arith.select %eq3A_345, %broadcast_in_dim3A_4, %broadcast_in_dim3A_6 : vector<16xi1>, vector<16xi32>
          %swap3A_347 = arith.index_cast %add3A_344 : i32 to index
          %swap3A_348 = arith.constant 0 : index
          %swap3A_349 = tpu.vector_load %arg6[%swap3A_347, %swap3A_348] {strides = array<i32>} : memref<400x21xi32, #tpu.memory_space<vmem>>, vector<1x16xi32>,
          %swap3A_350 = vector.shape_cast %swap3A_349 : vector<1x16xi32> to vector<16xi32>
          %swap3A_351 = vector.shape_cast %select_n3A_346 : vector<16xi32> to vector<1x16xi32>
          tpu.vector_store %arg6[%swap3A_347, %swap3A_348], %swap3A_351 {strides = array<i32>} : memref<400x21xi32, #tpu.memory_space<vmem>>, vector<1x16xi32>,
          %eq3A_352 = arith.cmpi eq, %add3A_3, %gather3A_340 : vector<16xi32>
          %select_n3A_353 = arith.select %eq3A_352, %broadcast_in_dim3A_4, %broadcast_in_dim3A_6 : vector<16xi1>, vector<16xi32>
          %swap3A_354 = arith.index_cast %add3A_344 : i32 to index
          %swap3A_355 = arith.constant 5 : index
          %swap3A_356 = tpu.vector_load %arg6[%swap3A_354, %swap3A_355] {strides = array<i32>} : memref<400x21xi32, #tpu.memory_space<vmem>>, vector<1x16xi32>,
          %swap3A_357 = vector.shape_cast %swap3A_356 : vector<1x16xi32> to vector<16xi32>
          %swap3A_358 = vector.shape_cast %select_n3A_353 : vector<16xi32> to vector<1x16xi32>
          tpu.vector_store %arg6[%swap3A_354, %swap3A_355], %swap3A_358 {strides = array<i32>} : memref<400x21xi32, #tpu.memory_space<vmem>>, vector<1x16xi32>,
          %broadcast_in_dim3A_359 = arith.constant 6 : i32
          %broadcast_in_dim3A_360 = vector.broadcast %broadcast_in_dim3A_359 : i32 to vector<16x1xi32>
          %gather3A_361 = vector.shape_cast %broadcast_in_dim3A_360 : vector<16x1xi32> to vector<16xi32>
          %gather3A_362 = tpu.dynamic_gather %add3A_228[%gather3A_361] in [0] : vector<16xi32>, vector<16xi32> -> vector<16xi32>
          %mul3A_363 = arith.constant 16 : i32
          %mul3A_364 = arith.muli %mul3A_363, %scan3A_167 : i32
          %add3A_365 = arith.constant 6 : i32
          %add3A_366 = arith.addi %mul3A_364, %add3A_365 : i32
          %eq3A_367 = arith.cmpi eq, %iota3A, %gather3A_362 : vector<16xi32>
          %select_n3A_368 = arith.select %eq3A_367, %broadcast_in_dim3A_4, %broadcast_in_dim3A_6 : vector<16xi1>, vector<16xi32>
          %swap3A_369 = arith.index_cast %add3A_366 : i32 to index
          %swap3A_370 = arith.constant 0 : index
          %swap3A_371 = tpu.vector_load %arg6[%swap3A_369, %swap3A_370] {strides = array<i32>} : memref<400x21xi32, #tpu.memory_space<vmem>>, vector<1x16xi32>,
          %swap3A_372 = vector.shape_cast %swap3A_371 : vector<1x16xi32> to vector<16xi32>
          %swap3A_373 = vector.shape_cast %select_n3A_368 : vector<16xi32> to vector<1x16xi32>
          tpu.vector_store %arg6[%swap3A_369, %swap3A_370], %swap3A_373 {strides = array<i32>} : memref<400x21xi32, #tpu.memory_space<vmem>>, vector<1x16xi32>,
          %eq3A_374 = arith.cmpi eq, %add3A_3, %gather3A_362 : vector<16xi32>
          %select_n3A_375 = arith.select %eq3A_374, %broadcast_in_dim3A_4, %broadcast_in_dim3A_6 : vector<16xi1>, vector<16xi32>
          %swap3A_376 = arith.index_cast %add3A_366 : i32 to index
          %swap3A_377 = arith.constant 5 : index
          %swap3A_378 = tpu.vector_load %arg6[%swap3A_376, %swap3A_377] {strides = array<i32>} : memref<400x21xi32, #tpu.memory_space<vmem>>, vector<1x16xi32>,
          %swap3A_379 = vector.shape_cast %swap3A_378 : vector<1x16xi32> to vector<16xi32>
          %swap3A_380 = vector.shape_cast %select_n3A_375 : vector<16xi32> to vector<1x16xi32>
          tpu.vector_store %arg6[%swap3A_376, %swap3A_377], %swap3A_380 {strides = array<i32>} : memref<400x21xi32, #tpu.memory_space<vmem>>, vector<1x16xi32>,
          %broadcast_in_dim3A_381 = arith.constant 7 : i32
          %broadcast_in_dim3A_382 = vector.broadcast %broadcast_in_dim3A_381 : i32 to vector<16x1xi32>
          %gather3A_383 = vector.shape_cast %broadcast_in_dim3A_382 : vector<16x1xi32> to vector<16xi32>
          %gather3A_384 = tpu.dynamic_gather %add3A_228[%gather3A_383] in [0] : vector<16xi32>, vector<16xi32> -> vector<16xi32>
          %mul3A_385 = arith.constant 16 : i32
          %mul3A_386 = arith.muli %mul3A_385, %scan3A_167 : i32
          %add3A_387 = arith.constant 7 : i32
          %add3A_388 = arith.addi %mul3A_386, %add3A_387 : i32
          %eq3A_389 = arith.cmpi eq, %iota3A, %gather3A_384 : vector<16xi32>
          %select_n3A_390 = arith.select %eq3A_389, %broadcast_in_dim3A_4, %broadcast_in_dim3A_6 : vector<16xi1>, vector<16xi32>
          %swap3A_391 = arith.index_cast %add3A_388 : i32 to index
          %swap3A_392 = arith.constant 0 : index
          %swap3A_393 = tpu.vector_load %arg6[%swap3A_391, %swap3A_392] {strides = array<i32>} : memref<400x21xi32, #tpu.memory_space<vmem>>, vector<1x16xi32>,
          %swap3A_394 = vector.shape_cast %swap3A_393 : vector<1x16xi32> to vector<16xi32>
          %swap3A_395 = vector.shape_cast %select_n3A_390 : vector<16xi32> to vector<1x16xi32>
          tpu.vector_store %arg6[%swap3A_391, %swap3A_392], %swap3A_395 {strides = array<i32>} : memref<400x21xi32, #tpu.memory_space<vmem>>, vector<1x16xi32>,
          %eq3A_396 = arith.cmpi eq, %add3A_3, %gather3A_384 : vector<16xi32>
          %select_n3A_397 = arith.select %eq3A_396, %broadcast_in_dim3A_4, %broadcast_in_dim3A_6 : vector<16xi1>, vector<16xi32>
          %swap3A_398 = arith.index_cast %add3A_388 : i32 to index
          %swap3A_399 = arith.constant 5 : index
          %swap3A_400 = tpu.vector_load %arg6[%swap3A_398, %swap3A_399] {strides = array<i32>} : memref<400x21xi32, #tpu.memory_space<vmem>>, vector<1x16xi32>,
          %swap3A_401 = vector.shape_cast %swap3A_400 : vector<1x16xi32> to vector<16xi32>
          %swap3A_402 = vector.shape_cast %select_n3A_397 : vector<16xi32> to vector<1x16xi32>
          tpu.vector_store %arg6[%swap3A_398, %swap3A_399], %swap3A_402 {strides = array<i32>} : memref<400x21xi32, #tpu.memory_space<vmem>>, vector<1x16xi32>,
          %broadcast_in_dim3A_403 = arith.constant 8 : i32
          %broadcast_in_dim3A_404 = vector.broadcast %broadcast_in_dim3A_403 : i32 to vector<16x1xi32>
          %gather3A_405 = vector.shape_cast %broadcast_in_dim3A_404 : vector<16x1xi32> to vector<16xi32>
          %gather3A_406 = tpu.dynamic_gather %add3A_228[%gather3A_405] in [0] : vector<16xi32>, vector<16xi32> -> vector<16xi32>
          %mul3A_407 = arith.constant 16 : i32
          %mul3A_408 = arith.muli %mul3A_407, %scan3A_167 : i32
          %add3A_409 = arith.constant 8 : i32
          %add3A_410 = arith.addi %mul3A_408, %add3A_409 : i32
          %eq3A_411 = arith.cmpi eq, %iota3A, %gather3A_406 : vector<16xi32>
          %select_n3A_412 = arith.select %eq3A_411, %broadcast_in_dim3A_4, %broadcast_in_dim3A_6 : vector<16xi1>, vector<16xi32>
          %swap3A_413 = arith.index_cast %add3A_410 : i32 to index
          %swap3A_414 = arith.constant 0 : index
          %swap3A_415 = tpu.vector_load %arg6[%swap3A_413, %swap3A_414] {strides = array<i32>} : memref<400x21xi32, #tpu.memory_space<vmem>>, vector<1x16xi32>,
          %swap3A_416 = vector.shape_cast %swap3A_415 : vector<1x16xi32> to vector<16xi32>
          %swap3A_417 = vector.shape_cast %select_n3A_412 : vector<16xi32> to vector<1x16xi32>
          tpu.vector_store %arg6[%swap3A_413, %swap3A_414], %swap3A_417 {strides = array<i32>} : memref<400x21xi32, #tpu.memory_space<vmem>>, vector<1x16xi32>,
          %eq3A_418 = arith.cmpi eq, %add3A_3, %gather3A_406 : vector<16xi32>
          %select_n3A_419 = arith.select %eq3A_418, %broadcast_in_dim3A_4, %broadcast_in_dim3A_6 : vector<16xi1>, vector<16xi32>
          %swap3A_420 = arith.index_cast %add3A_410 : i32 to index
          %swap3A_421 = arith.constant 5 : index
          %swap3A_422 = tpu.vector_load %arg6[%swap3A_420, %swap3A_421] {strides = array<i32>} : memref<400x21xi32, #tpu.memory_space<vmem>>, vector<1x16xi32>,
          %swap3A_423 = vector.shape_cast %swap3A_422 : vector<1x16xi32> to vector<16xi32>
          %swap3A_424 = vector.shape_cast %select_n3A_419 : vector<16xi32> to vector<1x16xi32>
          tpu.vector_store %arg6[%swap3A_420, %swap3A_421], %swap3A_424 {strides = array<i32>} : memref<400x21xi32, #tpu.memory_space<vmem>>, vector<1x16xi32>,
          %broadcast_in_dim3A_425 = arith.constant 9 : i32
          %broadcast_in_dim3A_426 = vector.broadcast %broadcast_in_dim3A_425 : i32 to vector<16x1xi32>
          %gather3A_427 = vector.shape_cast %broadcast_in_dim3A_426 : vector<16x1xi32> to vector<16xi32>
          %gather3A_428 = tpu.dynamic_gather %add3A_228[%gather3A_427] in [0] : vector<16xi32>, vector<16xi32> -> vector<16xi32>
          %mul3A_429 = arith.constant 16 : i32
          %mul3A_430 = arith.muli %mul3A_429, %scan3A_167 : i32
          %add3A_431 = arith.constant 9 : i32
          %add3A_432 = arith.addi %mul3A_430, %add3A_431 : i32
          %eq3A_433 = arith.cmpi eq, %iota3A, %gather3A_428 : vector<16xi32>
          %select_n3A_434 = arith.select %eq3A_433, %broadcast_in_dim3A_4, %broadcast_in_dim3A_6 : vector<16xi1>, vector<16xi32>
          %swap3A_435 = arith.index_cast %add3A_432 : i32 to index
          %swap3A_436 = arith.constant 0 : index
          %swap3A_437 = tpu.vector_load %arg6[%swap3A_435, %swap3A_436] {strides = array<i32>} : memref<400x21xi32, #tpu.memory_space<vmem>>, vector<1x16xi32>,
          %swap3A_438 = vector.shape_cast %swap3A_437 : vector<1x16xi32> to vector<16xi32>
          %swap3A_439 = vector.shape_cast %select_n3A_434 : vector<16xi32> to vector<1x16xi32>
          tpu.vector_store %arg6[%swap3A_435, %swap3A_436], %swap3A_439 {strides = array<i32>} : memref<400x21xi32, #tpu.memory_space<vmem>>, vector<1x16xi32>,
          %eq3A_440 = arith.cmpi eq, %add3A_3, %gather3A_428 : vector<16xi32>
          %select_n3A_441 = arith.select %eq3A_440, %broadcast_in_dim3A_4, %broadcast_in_dim3A_6 : vector<16xi1>, vector<16xi32>
          %swap3A_442 = arith.index_cast %add3A_432 : i32 to index
          %swap3A_443 = arith.constant 5 : index
          %swap3A_444 = tpu.vector_load %arg6[%swap3A_442, %swap3A_443] {strides = array<i32>} : memref<400x21xi32, #tpu.memory_space<vmem>>, vector<1x16xi32>,
          %swap3A_445 = vector.shape_cast %swap3A_444 : vector<1x16xi32> to vector<16xi32>
          %swap3A_446 = vector.shape_cast %select_n3A_441 : vector<16xi32> to vector<1x16xi32>
          tpu.vector_store %arg6[%swap3A_442, %swap3A_443], %swap3A_446 {strides = array<i32>} : memref<400x21xi32, #tpu.memory_space<vmem>>, vector<1x16xi32>,
          %broadcast_in_dim3A_447 = arith.constant 10 : i32
          %broadcast_in_dim3A_448 = vector.broadcast %broadcast_in_dim3A_447 : i32 to vector<16x1xi32>
          %gather3A_449 = vector.shape_cast %broadcast_in_dim3A_448 : vector<16x1xi32> to vector<16xi32>
          %gather3A_450 = tpu.dynamic_gather %add3A_228[%gather3A_449] in [0] : vector<16xi32>, vector<16xi32> -> vector<16xi32>
          %mul3A_451 = arith.constant 16 : i32
          %mul3A_452 = arith.muli %mul3A_451, %scan3A_167 : i32
          %add3A_453 = arith.constant 10 : i32
          %add3A_454 = arith.addi %mul3A_452, %add3A_453 : i32
          %eq3A_455 = arith.cmpi eq, %iota3A, %gather3A_450 : vector<16xi32>
          %select_n3A_456 = arith.select %eq3A_455, %broadcast_in_dim3A_4, %broadcast_in_dim3A_6 : vector<16xi1>, vector<16xi32>
          %swap3A_457 = arith.index_cast %add3A_454 : i32 to index
          %swap3A_458 = arith.constant 0 : index
          %swap3A_459 = tpu.vector_load %arg6[%swap3A_457, %swap3A_458] {strides = array<i32>} : memref<400x21xi32, #tpu.memory_space<vmem>>, vector<1x16xi32>,
          %swap3A_460 = vector.shape_cast %swap3A_459 : vector<1x16xi32> to vector<16xi32>
          %swap3A_461 = vector.shape_cast %select_n3A_456 : vector<16xi32> to vector<1x16xi32>
          tpu.vector_store %arg6[%swap3A_457, %swap3A_458], %swap3A_461 {strides = array<i32>} : memref<400x21xi32, #tpu.memory_space<vmem>>, vector<1x16xi32>,
          %eq3A_462 = arith.cmpi eq, %add3A_3, %gather3A_450 : vector<16xi32>
          %select_n3A_463 = arith.select %eq3A_462, %broadcast_in_dim3A_4, %broadcast_in_dim3A_6 : vector<16xi1>, vector<16xi32>
          %swap3A_464 = arith.index_cast %add3A_454 : i32 to index
          %swap3A_465 = arith.constant 5 : index
          %swap3A_466 = tpu.vector_load %arg6[%swap3A_464, %swap3A_465] {strides = array<i32>} : memref<400x21xi32, #tpu.memory_space<vmem>>, vector<1x16xi32>,
          %swap3A_467 = vector.shape_cast %swap3A_466 : vector<1x16xi32> to vector<16xi32>
          %swap3A_468 = vector.shape_cast %select_n3A_463 : vector<16xi32> to vector<1x16xi32>
          tpu.vector_store %arg6[%swap3A_464, %swap3A_465], %swap3A_468 {strides = array<i32>} : memref<400x21xi32, #tpu.memory_space<vmem>>, vector<1x16xi32>,
          %broadcast_in_dim3A_469 = arith.constant 11 : i32
          %broadcast_in_dim3A_470 = vector.broadcast %broadcast_in_dim3A_469 : i32 to vector<16x1xi32>
          %gather3A_471 = vector.shape_cast %broadcast_in_dim3A_470 : vector<16x1xi32> to vector<16xi32>
          %gather3A_472 = tpu.dynamic_gather %add3A_228[%gather3A_471] in [0] : vector<16xi32>, vector<16xi32> -> vector<16xi32>
          %mul3A_473 = arith.constant 16 : i32
          %mul3A_474 = arith.muli %mul3A_473, %scan3A_167 : i32
          %add3A_475 = arith.constant 11 : i32
          %add3A_476 = arith.addi %mul3A_474, %add3A_475 : i32
          %eq3A_477 = arith.cmpi eq, %iota3A, %gather3A_472 : vector<16xi32>
          %select_n3A_478 = arith.select %eq3A_477, %broadcast_in_dim3A_4, %broadcast_in_dim3A_6 : vector<16xi1>, vector<16xi32>
          %swap3A_479 = arith.index_cast %add3A_476 : i32 to index
          %swap3A_480 = arith.constant 0 : index
          %swap3A_481 = tpu.vector_load %arg6[%swap3A_479, %swap3A_480] {strides = array<i32>} : memref<400x21xi32, #tpu.memory_space<vmem>>, vector<1x16xi32>,
          %swap3A_482 = vector.shape_cast %swap3A_481 : vector<1x16xi32> to vector<16xi32>
          %swap3A_483 = vector.shape_cast %select_n3A_478 : vector<16xi32> to vector<1x16xi32>
          tpu.vector_store %arg6[%swap3A_479, %swap3A_480], %swap3A_483 {strides = array<i32>} : memref<400x21xi32, #tpu.memory_space<vmem>>, vector<1x16xi32>,
          %eq3A_484 = arith.cmpi eq, %add3A_3, %gather3A_472 : vector<16xi32>
          %select_n3A_485 = arith.select %eq3A_484, %broadcast_in_dim3A_4, %broadcast_in_dim3A_6 : vector<16xi1>, vector<16xi32>
          %swap3A_486 = arith.index_cast %add3A_476 : i32 to index
          %swap3A_487 = arith.constant 5 : index
          %swap3A_488 = tpu.vector_load %arg6[%swap3A_486, %swap3A_487] {strides = array<i32>} : memref<400x21xi32, #tpu.memory_space<vmem>>, vector<1x16xi32>,
          %swap3A_489 = vector.shape_cast %swap3A_488 : vector<1x16xi32> to vector<16xi32>
          %swap3A_490 = vector.shape_cast %select_n3A_485 : vector<16xi32> to vector<1x16xi32>
          tpu.vector_store %arg6[%swap3A_486, %swap3A_487], %swap3A_490 {strides = array<i32>} : memref<400x21xi32, #tpu.memory_space<vmem>>, vector<1x16xi32>,
          %broadcast_in_dim3A_491 = arith.constant 12 : i32
          %broadcast_in_dim3A_492 = vector.broadcast %broadcast_in_dim3A_491 : i32 to vector<16x1xi32>
          %gather3A_493 = vector.shape_cast %broadcast_in_dim3A_492 : vector<16x1xi32> to vector<16xi32>
          %gather3A_494 = tpu.dynamic_gather %add3A_228[%gather3A_493] in [0] : vector<16xi32>, vector<16xi32> -> vector<16xi32>
          %mul3A_495 = arith.constant 16 : i32
          %mul3A_496 = arith.muli %mul3A_495, %scan3A_167 : i32
          %add3A_497 = arith.constant 12 : i32
          %add3A_498 = arith.addi %mul3A_496, %add3A_497 : i32
          %eq3A_499 = arith.cmpi eq, %iota3A, %gather3A_494 : vector<16xi32>
          %select_n3A_500 = arith.select %eq3A_499, %broadcast_in_dim3A_4, %broadcast_in_dim3A_6 : vector<16xi1>, vector<16xi32>
          %swap3A_501 = arith.index_cast %add3A_498 : i32 to index
          %swap3A_502 = arith.constant 0 : index
          %swap3A_503 = tpu.vector_load %arg6[%swap3A_501, %swap3A_502] {strides = array<i32>} : memref<400x21xi32, #tpu.memory_space<vmem>>, vector<1x16xi32>,
          %swap3A_504 = vector.shape_cast %swap3A_503 : vector<1x16xi32> to vector<16xi32>
          %swap3A_505 = vector.shape_cast %select_n3A_500 : vector<16xi32> to vector<1x16xi32>
          tpu.vector_store %arg6[%swap3A_501, %swap3A_502], %swap3A_505 {strides = array<i32>} : memref<400x21xi32, #tpu.memory_space<vmem>>, vector<1x16xi32>,
          %eq3A_506 = arith.cmpi eq, %add3A_3, %gather3A_494 : vector<16xi32>
          %select_n3A_507 = arith.select %eq3A_506, %broadcast_in_dim3A_4, %broadcast_in_dim3A_6 : vector<16xi1>, vector<16xi32>
          %swap3A_508 = arith.index_cast %add3A_498 : i32 to index
          %swap3A_509 = arith.constant 5 : index
          %swap3A_510 = tpu.vector_load %arg6[%swap3A_508, %swap3A_509] {strides = array<i32>} : memref<400x21xi32, #tpu.memory_space<vmem>>, vector<1x16xi32>,
          %swap3A_511 = vector.shape_cast %swap3A_510 : vector<1x16xi32> to vector<16xi32>
          %swap3A_512 = vector.shape_cast %select_n3A_507 : vector<16xi32> to vector<1x16xi32>
          tpu.vector_store %arg6[%swap3A_508, %swap3A_509], %swap3A_512 {strides = array<i32>} : memref<400x21xi32, #tpu.memory_space<vmem>>, vector<1x16xi32>,
          %broadcast_in_dim3A_513 = arith.constant 13 : i32
          %broadcast_in_dim3A_514 = vector.broadcast %broadcast_in_dim3A_513 : i32 to vector<16x1xi32>
          %gather3A_515 = vector.shape_cast %broadcast_in_dim3A_514 : vector<16x1xi32> to vector<16xi32>
          %gather3A_516 = tpu.dynamic_gather %add3A_228[%gather3A_515] in [0] : vector<16xi32>, vector<16xi32> -> vector<16xi32>
          %mul3A_517 = arith.constant 16 : i32
          %mul3A_518 = arith.muli %mul3A_517, %scan3A_167 : i32
          %add3A_519 = arith.constant 13 : i32
          %add3A_520 = arith.addi %mul3A_518, %add3A_519 : i32
          %eq3A_521 = arith.cmpi eq, %iota3A, %gather3A_516 : vector<16xi32>
          %select_n3A_522 = arith.select %eq3A_521, %broadcast_in_dim3A_4, %broadcast_in_dim3A_6 : vector<16xi1>, vector<16xi32>
          %swap3A_523 = arith.index_cast %add3A_520 : i32 to index
          %swap3A_524 = arith.constant 0 : index
          %swap3A_525 = tpu.vector_load %arg6[%swap3A_523, %swap3A_524] {strides = array<i32>} : memref<400x21xi32, #tpu.memory_space<vmem>>, vector<1x16xi32>,
          %swap3A_526 = vector.shape_cast %swap3A_525 : vector<1x16xi32> to vector<16xi32>
          %swap3A_527 = vector.shape_cast %select_n3A_522 : vector<16xi32> to vector<1x16xi32>
          tpu.vector_store %arg6[%swap3A_523, %swap3A_524], %swap3A_527 {strides = array<i32>} : memref<400x21xi32, #tpu.memory_space<vmem>>, vector<1x16xi32>,
          %eq3A_528 = arith.cmpi eq, %add3A_3, %gather3A_516 : vector<16xi32>
          %select_n3A_529 = arith.select %eq3A_528, %broadcast_in_dim3A_4, %broadcast_in_dim3A_6 : vector<16xi1>, vector<16xi32>
          %swap3A_530 = arith.index_cast %add3A_520 : i32 to index
          %swap3A_531 = arith.constant 5 : index
          %swap3A_532 = tpu.vector_load %arg6[%swap3A_530, %swap3A_531] {strides = array<i32>} : memref<400x21xi32, #tpu.memory_space<vmem>>, vector<1x16xi32>,
          %swap3A_533 = vector.shape_cast %swap3A_532 : vector<1x16xi32> to vector<16xi32>
          %swap3A_534 = vector.shape_cast %select_n3A_529 : vector<16xi32> to vector<1x16xi32>
          tpu.vector_store %arg6[%swap3A_530, %swap3A_531], %swap3A_534 {strides = array<i32>} : memref<400x21xi32, #tpu.memory_space<vmem>>, vector<1x16xi32>,
          %broadcast_in_dim3A_535 = arith.constant 14 : i32
          %broadcast_in_dim3A_536 = vector.broadcast %broadcast_in_dim3A_535 : i32 to vector<16x1xi32>
          %gather3A_537 = vector.shape_cast %broadcast_in_dim3A_536 : vector<16x1xi32> to vector<16xi32>
          %gather3A_538 = tpu.dynamic_gather %add3A_228[%gather3A_537] in [0] : vector<16xi32>, vector<16xi32> -> vector<16xi32>
          %mul3A_539 = arith.constant 16 : i32
          %mul3A_540 = arith.muli %mul3A_539, %scan3A_167 : i32
          %add3A_541 = arith.constant 14 : i32
          %add3A_542 = arith.addi %mul3A_540, %add3A_541 : i32
          %eq3A_543 = arith.cmpi eq, %iota3A, %gather3A_538 : vector<16xi32>
          %select_n3A_544 = arith.select %eq3A_543, %broadcast_in_dim3A_4, %broadcast_in_dim3A_6 : vector<16xi1>, vector<16xi32>
          %swap3A_545 = arith.index_cast %add3A_542 : i32 to index
          %swap3A_546 = arith.constant 0 : index
          %swap3A_547 = tpu.vector_load %arg6[%swap3A_545, %swap3A_546] {strides = array<i32>} : memref<400x21xi32, #tpu.memory_space<vmem>>, vector<1x16xi32>,
          %swap3A_548 = vector.shape_cast %swap3A_547 : vector<1x16xi32> to vector<16xi32>
          %swap3A_549 = vector.shape_cast %select_n3A_544 : vector<16xi32> to vector<1x16xi32>
          tpu.vector_store %arg6[%swap3A_545, %swap3A_546], %swap3A_549 {strides = array<i32>} : memref<400x21xi32, #tpu.memory_space<vmem>>, vector<1x16xi32>,
          %eq3A_550 = arith.cmpi eq, %add3A_3, %gather3A_538 : vector<16xi32>
          %select_n3A_551 = arith.select %eq3A_550, %broadcast_in_dim3A_4, %broadcast_in_dim3A_6 : vector<16xi1>, vector<16xi32>
          %swap3A_552 = arith.index_cast %add3A_542 : i32 to index
          %swap3A_553 = arith.constant 5 : index
          %swap3A_554 = tpu.vector_load %arg6[%swap3A_552, %swap3A_553] {strides = array<i32>} : memref<400x21xi32, #tpu.memory_space<vmem>>, vector<1x16xi32>,
          %swap3A_555 = vector.shape_cast %swap3A_554 : vector<1x16xi32> to vector<16xi32>
          %swap3A_556 = vector.shape_cast %select_n3A_551 : vector<16xi32> to vector<1x16xi32>
          tpu.vector_store %arg6[%swap3A_552, %swap3A_553], %swap3A_556 {strides = array<i32>} : memref<400x21xi32, #tpu.memory_space<vmem>>, vector<1x16xi32>,
          %broadcast_in_dim3A_557 = arith.constant 15 : i32
          %broadcast_in_dim3A_558 = vector.broadcast %broadcast_in_dim3A_557 : i32 to vector<16x1xi32>
          %gather3A_559 = vector.shape_cast %broadcast_in_dim3A_558 : vector<16x1xi32> to vector<16xi32>
          %gather3A_560 = tpu.dynamic_gather %add3A_228[%gather3A_559] in [0] : vector<16xi32>, vector<16xi32> -> vector<16xi32>
          %mul3A_561 = arith.constant 16 : i32
          %mul3A_562 = arith.muli %mul3A_561, %scan3A_167 : i32
          %add3A_563 = arith.constant 15 : i32
          %add3A_564 = arith.addi %mul3A_562, %add3A_563 : i32
          %eq3A_565 = arith.cmpi eq, %iota3A, %gather3A_560 : vector<16xi32>
          %select_n3A_566 = arith.select %eq3A_565, %broadcast_in_dim3A_4, %broadcast_in_dim3A_6 : vector<16xi1>, vector<16xi32>
          %swap3A_567 = arith.index_cast %add3A_564 : i32 to index
          %swap3A_568 = arith.constant 0 : index
          %swap3A_569 = tpu.vector_load %arg6[%swap3A_567, %swap3A_568] {strides = array<i32>} : memref<400x21xi32, #tpu.memory_space<vmem>>, vector<1x16xi32>,
          %swap3A_570 = vector.shape_cast %swap3A_569 : vector<1x16xi32> to vector<16xi32>
          %swap3A_571 = vector.shape_cast %select_n3A_566 : vector<16xi32> to vector<1x16xi32>
          tpu.vector_store %arg6[%swap3A_567, %swap3A_568], %swap3A_571 {strides = array<i32>} : memref<400x21xi32, #tpu.memory_space<vmem>>, vector<1x16xi32>,
          %eq3A_572 = arith.cmpi eq, %add3A_3, %gather3A_560 : vector<16xi32>
          %select_n3A_573 = arith.select %eq3A_572, %broadcast_in_dim3A_4, %broadcast_in_dim3A_6 : vector<16xi1>, vector<16xi32>
          %swap3A_574 = arith.index_cast %add3A_564 : i32 to index
          %swap3A_575 = arith.constant 5 : index
          %swap3A_576 = tpu.vector_load %arg6[%swap3A_574, %swap3A_575] {strides = array<i32>} : memref<400x21xi32, #tpu.memory_space<vmem>>, vector<1x16xi32>,
          %swap3A_577 = vector.shape_cast %swap3A_576 : vector<1x16xi32> to vector<16xi32>
          %swap3A_578 = vector.shape_cast %select_n3A_573 : vector<16xi32> to vector<1x16xi32>
          tpu.vector_store %arg6[%swap3A_574, %swap3A_575], %swap3A_578 {strides = array<i32>} : memref<400x21xi32, #tpu.memory_space<vmem>>, vector<1x16xi32>,
        }
        %scan3A_160 = arith.constant 25 : i32
        %mul3A_161 = arith.constant 400 : i32
        %mul3A_162 = arith.muli %add3A_111, %mul3A_161 : i32
        %dma_start3A_163 = arith.constant 0 : i32
        %dma_start3A_164 = tpu.memref_slice %arg4[%mul3A_162, %dma_start3A_163] : memref<1000000x21xi32, #tpu.memory_space<hbm>> -> memref<400x21xi32, #tpu.memory_space<hbm>>
        %dma_start3A_165 = arith.constant 0 : i32
        %dma_start3A_166 = tpu.memref_slice %arg4[%mul3A_162, %dma_start3A_165] : memref<1000000x21xi32, #tpu.memory_space<hbm>> -> memref<400x21xi32, #tpu.memory_space<hbm>>
        tpu.enqueue_dma source(%arg6 : memref<400x21xi32, #tpu.memory_space<vmem>>) target(%dma_start3A_166 : memref<400x21xi32, #tpu.memory_space<hbm>>) target_semaphore(%arg11 : memref<!tpu.dma_semaphore, #tpu.memory_space<semaphore_mem>>)
      } else {
      }
    }
    %scan3A_94 = arith.constant 40 : i32
    %dma_wait3A = arith.constant 0 : i32
    %dma_wait3A_95 = arith.constant 0 : i32
    %dma_wait3A_96 = tpu.memref_slice %arg4[%dma_wait3A, %dma_wait3A_95] : memref<1000000x21xi32, #tpu.memory_space<hbm>> -> memref<400x21xi32, #tpu.memory_space<hbm>>
    %dma_wait3A_97 = arith.constant 0 : i32
    %dma_wait3A_98 = arith.constant 0 : i32
    %dma_wait3A_99 = tpu.memref_slice %arg4[%dma_wait3A_97, %dma_wait3A_98] : memref<1000000x21xi32, #tpu.memory_space<hbm>> -> memref<400x21xi32, #tpu.memory_space<hbm>>
    tpu.wait_dma2 semaphore(%arg10 : memref<!tpu.dma_semaphore, #tpu.memory_space<semaphore_mem>>) src(%arg5 : memref<400x21xi32, #tpu.memory_space<vmem>>) dst(%dma_wait3A_99 : memref<400x21xi32, #tpu.memory_space<hbm>>)
    %dma_wait3A_100 = arith.constant 0 : i32
    %dma_wait3A_101 = arith.constant 0 : i32
    %dma_wait3A_102 = tpu.memref_slice %arg4[%dma_wait3A_100, %dma_wait3A_101] : memref<1000000x21xi32, #tpu.memory_space<hbm>> -> memref<400x21xi32, #tpu.memory_space<hbm>>
    %dma_wait3A_103 = arith.constant 0 : i32
    %dma_wait3A_104 = arith.constant 0 : i32
    %dma_wait3A_105 = tpu.memref_slice %arg4[%dma_wait3A_103, %dma_wait3A_104] : memref<1000000x21xi32, #tpu.memory_space<hbm>> -> memref<400x21xi32, #tpu.memory_space<hbm>>
    tpu.wait_dma2 semaphore(%arg11 : memref<!tpu.dma_semaphore, #tpu.memory_space<semaphore_mem>>) src(%arg6 : memref<400x21xi32, #tpu.memory_space<vmem>>) dst(%dma_wait3A_105 : memref<400x21xi32, #tpu.memory_space<hbm>>)
    return
  }
}

</mosaic_0001>

<sc_bundles>
// kernel: kernel.3.cloned.1.call-start
scs
__scs_entry_jumppad:
0x0: {  	(pc) =	sbr.rel $0x88, $3  }
0x1: {  	(tag) =	ssettag $0x0;
	lr =	simm.s32 $0x1  }
0x2: {  	[smem:$0x3F9F] =	sst lr;
	_ =	strace $0xD0000000  }
0x3: {  	_ = 	snop  }
0x4: {  	_ = 	snop  }
0x5: {  	_ = 	snop  }
0x6: {  	_ = 	snop  }
0x7: {  	_ = 	snop  }
__scs_overlays_trampoline_lowered:
0x8: {  	[smem:$0x3FAE] =	sst s0  }
0x9: {  	[smem:$0x3FAF] =	sst s1  }
0xa: {  	[smem:$0x3FB0] =	sst s2  }
0xb: {  	[smem:$0x3FB1] =	sst s3  }
0xc: {  	[smem:$0x3FB2] =	sst s4  }
0xd: {  	[smem:$0x3FB3] =	sst s5  }
0xe: {  	[smem:$0x3FB4] =	sst s6  }
0xf: {  	[smem:$0x3FB5] =	sst s7  }
0x10: {  	[smem:$0x3FB6] =	sst s8  }
0x11: {  	[smem:$0x3FB7] =	sst s9;
	s0 =	simm.s32 @!p0 $0x0  }
0x12: {  	s1 =	sld [smem:$0x3F9D];
	s0 =	simm.s32 @p0 $0x1  }
0x13: {  	[smem:$0x3FB8] =	sst s0;
	s0 =	simm.s32 @!p1 $0x0  }
0x14: {  	s2 =	sld [smem:$0x3F9C];
	s0 =	simm.s32 @p1 $0x1  }
0x15: {  	[smem:$0x3FB9] =	sst s0;
	s0 =	simm.s32 @!p2 $0x0  }
0x16: {  	s3 =	sld [smem:$0x3FDB];
	s0 =	simm.s32 @p2 $0x1  }
0x17: {  	s4 =	simm.s32 $0x1BF5;
	[smem:$0x3FBB] =	sst s0  }
0x18: {  	s0 =	sld [smem:$0x3F9E];
	_ =	swait.ge [sflag:s4], $0x0  }
0x19: {  	s7 =	sld [smem:$0x3F9F]  }
0x1a: {  	s8 =	sadd.s32 $0xFFFFE003, lr  }
0x1b: {  	s9 =	sadd.s32 $0xFFFFFEF7, lr;
	s5 =	simm.s32 $0xFFFFFFFF;
	p2 =	slt.u32 s8, $0xFFFFF086  }
0x1c: {  	p1 =	slt.u32 s9, $0xF7A;
	s5 =	simm.s32 @!p2 $0x0  }
0x1d: {  	s5 =	simm.s32 @p1 $0x1;
	p0 =	seq.s32 s7, s2  }
0x1e: {  	s7 =	smul.u32 @!p0 $0xF7A, s2;
	p2 =	seq.s32 @!p0 s5, $0x0  }
0x1f: {  	s9 =	smul.u32 $0xF7A, s1;
	s8 =	simm.s32 @!p0 $0x1BF5;
	p2 =	por !p2, p0  }
0x20: {  	[sflag:s8] =	ssyncset.s32 @!p0 $0xFFFFF086;
	s6 =	sadd.s32 @!p0 s3, s7;
	s7 =	simm.s32 @!p0 $0x108  }
0x21: {  	s3 =	sadd.s32 s3, s9;
	s6 =	sadd.s32 @!p0 $0x88, s6;
	s7 =	simm.s32 @p2 $0x1082  }
0x22: {  	[simem:s7], [sflag:s8] =	dma.local @!p0 [hbm:s6], $0xF7A  }
0x23: {  	s9 =	sor.u32 $0xD0000000, s2;
	s6 =	simm.s32 $0x108;
	_ =	swait.ge @!p0 [sflag:s8], $0x0  }
0x24: {  	s3 =	sadd.s32 $0x88, s3;
	s6 =	simm.s32 @!p1 $0x1082;
	[sflag:s4] =	ssyncset.s32 $0xFFFFF086  }
0x25: {  	[simem:s6], [sflag:s4] =	dma.local [hbm:s3], $0xF7A  }
0x26: {  	[smem:$0x3F9F] =	sst s1;
	(tag) =	ssettag s2;
	_ =	strace s9  }
0x27: {  	s1 =	sld [smem:$0x3FAF]  }
0x28: {  	s2 =	sld [smem:$0x3FB0]  }
0x29: {  	s4 =	sld [smem:$0x3FB2]  }
0x2a: {  	p0 =	seq.s32 s5, $0x0;
	s5 =	sld [smem:$0x3FB3]  }
0x2b: {  	s6 =	sld [smem:$0x3FB4]  }
0x2c: {  	s7 =	sld [smem:$0x3FB5]  }
0x2d: {  	s3 =	simm.s32 $0x108;
	s8 =	sld [smem:$0x3FB6]  }
0x2e: {  	s3 =	simm.s32 @!p0 $0x1082;
	s9 =	sld [smem:$0x3FB7]  }
0x2f: {  	lr =	sadd.s32 s0, s3;
	s0 =	sld [smem:$0x3FAE]  }
0x30: {  	s3 =	sld [smem:$0x3FB1]  }
0x31: {  	[smem:$0x3FBA] =	sst s10  }
0x32: {  	s10 =	sld [smem:$0x3FB8];
	_ =	sdelay $0x3  }
0x33: {  	p0 =	seq.s32 s10, $0x1;
	s10 =	sld [smem:$0x3FBA];
	_ =	sdelay $0x3  }
0x34: {  	[smem:$0x3FBA] =	sst s10  }
0x35: {  	s10 =	sld [smem:$0x3FB9];
	_ =	sdelay $0x3  }
0x36: {  	p1 =	seq.s32 s10, $0x1;
	s10 =	sld [smem:$0x3FBA];
	_ =	sdelay $0x3  }
0x37: {  	[smem:$0x3FBA] =	sst s10  }
0x38: {  	s10 =	sld [smem:$0x3FBB]  }
0x39: {  	_ = 	snop;
	(pc) =	sbr.ind lr, $3  }
0x3a: {  	_ = 	snop  }
0x3b: {  	_ = 	snop  }
0x3c: {  	p2 =	seq.s32 s10, $0x1;
	s10 =	sld [smem:$0x3FBA]  }
0x3d: {  	_ =	shalt  }
0x3e: {  	_ =	shalt  }
0x3f: {  	_ =	shalt  }
0x40: {  	_ =	shalt  }
0x41: {  	_ =	shalt  }
0x42: {  	_ =	shalt  }
0x43: {  	_ =	shalt  }
0x44: {  	_ =	shalt  }
0x45: {  	_ =	shalt  }
0x46: {  	_ =	shalt  }
0x47: {  	_ =	shalt  }
0x48: {  	_ =	shalt  }
0x49: {  	_ =	shalt  }
0x4a: {  	_ =	shalt  }
0x4b: {  	_ =	shalt  }
0x4c: {  	_ =	shalt  }
0x4d: {  	_ =	shalt  }
0x4e: {  	_ =	shalt  }
0x4f: {  	_ =	shalt  }
0x50: {  	_ =	shalt  }
0x51: {  	_ =	shalt  }
0x52: {  	_ =	shalt  }
0x53: {  	_ =	shalt  }
0x54: {  	_ =	shalt  }
0x55: {  	_ =	shalt  }
0x56: {  	_ =	shalt  }
0x57: {  	_ =	shalt  }
0x58: {  	_ =	shalt  }
0x59: {  	_ =	shalt  }
0x5a: {  	_ =	shalt  }
0x5b: {  	_ =	shalt  }
0x5c: {  	_ =	shalt  }
0x5d: {  	_ =	shalt  }
0x5e: {  	_ =	shalt  }
0x5f: {  	_ =	shalt  }
0x60: {  	_ =	shalt  }
0x61: {  	_ =	shalt  }
0x62: {  	_ =	shalt  }
0x63: {  	_ =	shalt  }
0x64: {  	_ =	shalt  }
0x65: {  	_ =	shalt  }
0x66: {  	_ =	shalt  }
0x67: {  	_ =	shalt  }
0x68: {  	_ =	shalt  }
0x69: {  	_ =	shalt  }
0x6a: {  	_ =	shalt  }
0x6b: {  	_ =	shalt  }
0x6c: {  	_ =	shalt  }
0x6d: {  	_ =	shalt  }
0x6e: {  	_ =	shalt  }
0x6f: {  	_ =	shalt  }
0x70: {  	_ =	shalt  }
0x71: {  	_ =	shalt  }
0x72: {  	_ =	shalt  }
0x73: {  	_ =	shalt  }
0x74: {  	_ =	shalt  }
0x75: {  	_ =	shalt  }
0x76: {  	_ =	shalt  }
0x77: {  	_ =	shalt  }
0x78: {  	_ =	shalt  }
0x79: {  	_ =	shalt  }
0x7a: {  	_ =	shalt  }
0x7b: {  	_ =	shalt  }
0x7c: {  	_ =	shalt  }
0x7d: {  	_ =	shalt  }
0x7e: {  	_ =	shalt  }
0x7f: {  	_ =	shalt  }
0x80: {  	_ =	shalt  }
0x81: {  	_ =	shalt  }
0x82: {  	_ =	shalt  }
0x83: {  	_ =	shalt  }
0x84: {  	_ =	shalt  }
0x85: {  	_ =	shalt  }
0x86: {  	_ =	shalt  }
0x87: {  	_ =	shalt  }
.Lfunc_end0:
.L_simem_size_0:
called_computation_lowered:
.L_overlay_start_0:
0x88: {  	s2 =	sld [smem:$0x3FD9]  }
0x89: {  	s3 =	sld [smem:$0x3FFE];
	_ =	sdelay $0x1  }
0x8a: {  	s1 =	srdreg.scid  }
0x8b: {  	s0 =	sand.u32 $0x1, s1  }
0x8c: {  	s17 =	sshll.u32 s0, $0xA;
	s2 =	sadd.s32 s3, s2  }
0x8d: {  	s2 =	sadd.s32 s2, s17  }
0x8e: {  	[smem:$0x3FC6] =	sst s2  }
0x8f: {  	_ = 	snop  }
0x90: {  	s2 =	sld [smem:$0x3FC9]  }
0x91: {  	s18 =	sld [smem:$0x3FC8];
	(tm) =	ssettm $0x1  }
0x92: {  	s4 =	sld [smem:$0x3FFB];
	_ =	sdelay $0x3  }
0x93: {  	_ =	strace s4  }
0x94: {  	s4 =	sld [smem:$0x3FFC];
	_ =	sdelay $0x3  }
0x95: {  	_ =	strace s4  }
0x96: {  	s4 =	sld [smem:$0x3FFD];
	_ =	sdelay $0x3  }
0x97: {  	_ =	strace s4  }
0x98: {  	_ =	strace $0x8FFFFFFF  }
0x99: {  	s19 =	sld [smem:$0x3FDB];
	_ =	sdelay $0x1  }
0x9a: {  	s5 =	simm.s32 $_scs_section_size  }
0x9b: {  	s6 =	simm.s32 $_size__tile_overlayer_lowered;
	s7 =	simm.s32 $_tile_overlayer_lowered  }
0x9c: {  	s22 =	simm.s32 $0x1BFF;
	s21 =	sshll.u32 s7, $0x1;
	s4 =	sadd.s32 s5, s19  }
0x9d: {  	s8 =	simm.s32 $0x0;
	s20 =	sshll.u32 s6, $0x1;
	s6 =	sadd.s32 s21, s4  }
0x9e: {  	[timem:s8], [sflag:s22] =	dma.local [hbm:s6], s20  }
0x9f: {  	_ =	swait.ge [sflag:s22], s20  }
0xa0: {  	s5 =	ssub.s32 $0x0, s20;
	[sflag:s22] =	ssyncset.done $0x0  }
0xa1: {  	[sflag:s22] =	ssyncadd.s32 s5;
	_ =	sdelay $0x1  }
0xa2: {  	s23 =	simm.s32 $0x1B8B  }
0xa3: {  	_ =	swait.ge [sflag:s23], $0x1  }
0xa4: {  	[sflag:s23] =	ssyncset.done $0x0  }
0xa5: {  	s25 =	simm.s32 $0x1B8E;
	s24 =	sld [smem:$0x3FFE];
	[sflag:s23] =	ssyncadd.s32 $0xFFFFFFFF  }
0xa6: {  	s26 =	simm.s32 $execute0_lowered;
	[smem:$0x3FD2] =	sst s25  }
0xa7: {  	s6 =	sshll.u32 s26, $0x1;
	_ =	strace $0x80000046;
	[dreg:$0x1] =	wrdreg $0xFFFFFFFF  }
0xa8: {  	s28 =	simm.s32 $_size_execute0_lowered;
	s4 =	sadd.s32 s4, s6;
	[dreg:$0x0] =	wrdreg $0x0  }
0xa9: {  	s6 =	sshll.u32 s28, $0x1;
	[dreg:$0x2] =	wrdreg s4  }
0xaa: {  	[dreg:$0x3] =	wrdreg s6  }
0xab: {  	[dreg:$0x4] =	wrdreg $0xC0  }
0xac: {  	_ =	task [dreg:s8], $0x5FFFF  }
0xad: {  	[dreg:$0x1] =	wrdreg $0xFFFFFFFF  }
0xae: {  	[dreg:$0x0] =	wrdreg $0x60  }
0xaf: {  	[dreg:$0x2] =	wrdreg s2  }
0xb0: {  	[dreg:$0x3] =	wrdreg s18  }
0xb1: {  	[dreg:$0x4] =	wrdreg s24  }
0xb2: {  	[dreg:$0x5] =	wrdreg $0x9  }
0xb3: {  	_ =	task.clear_ibuf [dreg:s8], $0x6FFFF;
	_ =	strace $0x90000046  }
0xb4: {  	s29 =	simm.s32 $0x9;
	_ =	strace $0x80000048  }
0xb5: {  	_ =	swait.ge [sflag:s29], $0x1  }
0xb6: {  	[sflag:s29] =	ssyncadd.s32 $0xFFFFFFFF  }
0xb7: {  	_ =	strace $0x90000048  }
0xb8: {  	_ =	sfence  }
0xb9: {  	s30 =	sld [smem:$0x0];
	_ =	sdelay $0x2  }
0xba: {  	s31 =	sshll.u32 s1, $0xD;
	s1 =	sshrl.u32 s1, $0x2  }
0xbb: {  	s3 =	sand.u32 $0x4000, s31;
	s1 =	sadd.s32 s1, s30  }
0xbc: {  	s0 =	sor.u32 s3, s0;
	s1 =	sshll.u32 s1, $0x11  }
0xbd: {  	s0 =	sor.u32 s1, s0  }
0xbe: {  	s0 =	sadd.s32 $0x8F2B, s0  }
0xbf: {  	[sflag:s0] =	ssyncadd.remote.s32 $0x1  }
0xc0: {  	_ =	sfence.sel $0xFFFF  }
0xc1: {  	[dreg:$0x0] =	wrdreg $0xFFFFFFFF;
	(pc) =	sbr.abs _section_cstart, $3  }
0xc2: {  	[dreg:$0x1] =	wrdreg $0xFFFFFFFF  }
0xc3: {  	_ =	task.clear_ibuf [dreg:s8], $0x2FFFF;
	_ =	strace $0x9FFFFFFF  }
0xc4: {  	(tm) =	ssettm $0x7FFFFFFF  }
0xc5: {  	_ =	shalt  }
tec
execute0_lowered:
.L_overlay_start_1:
0x0: {  	(tag) =	ssettag $0x1  }
0x1: {  	s2 =	rddreg [dreg:$0x0]  }
0x2: {  	s3 =	rddreg [dreg:$0x1]  }
0x3: {  	s6 =	rddreg [dreg:$0x2]  }
0x4: {  	s4 =	srdreg.scid;
	s1 =	stileid.u32  }
0x5: {  	s0 =	rddreg [dreg:$0x3];
	s10 =	simm.s32 $0x5;
	s11 =	simm.s32 $0x19000  }
0x6: {  	s12 =	simm.s32 $0x3;
	s13 =	simm.s32 $0x4;
	s14 =	simm.s32 $0xC800  }
0x7: {  	v0 =	vimm.s32 $0x0;
	v1 =	vimm.s32 $0x1;
	v2 =	vimm.s32 $0x2;
	s15 =	simm.s32 $0x1;
	s16 =	simm.s32 $0x2;
	s17 =	simm.s32 $0x0  }
.Ltmp0:
0x8: {  	v3 =	vimm.s32 $0x3;
	v4 =	vimm.s32 $0x4;
	v5 =	vimm.s32 $0x5;
	s5 =	sand.u32 $0x1, s4;
	s7 =	sshll.u32 s1, $0x1;
	(pc) =	sbr.rel .LBB2_1-.Ltmp0, $4  }
0x9: {  	v6 =	vimm.s32 $0x6;
	v7 =	vimm.s32 $0x7;
	v8 =	vimm.s32 $0x8;
	s4 =	simm.s32 $0x0;
	s8 =	ssub.s32 $0x2, s5;
	s5 =	sor.u32 s5, s7  }
0xa: {  	v9 =	vimm.s32 $0x9;
	v10 =	vimm.s32 $0xA;
	v11 =	vimm.s32 $0xB;
	[smem:$0x7FF] =	sst s4;
	s31 =	sshrl.u32 s8, $0x1;
	s9 =	smul.u32 $0x32, s5  }
0xb: {  	v12 =	vimm.s32 $0xC;
	v13 =	vimm.s32 $0xD;
	v14 =	vlaneseq.u32;
	s6 =	sadd.s32 $0x400, s6;
	_ =	strace $0x80000047;
	s8 =	ssub.s32 s8, s31  }
0xc: {  	v15 =	vimm.s32 $0xE;
	v16 =	vimm.s32 $0xF;
	v17 =	vadd.s32 $0x5, v14;
	s7 =	sadd.s32 s2, s9;
	s8 =	smax.u32 s8, $0x1;
	s9 =	simm.s32 $0x19400  }
.LBB2_12:
0xd: {  	s17 =	sadd.s32 $0x1, s17  }
0xe: {  	_ =	swait.ge [sflag:s15], $0xC800;
	p0 =	sne.s32 s17, s8  }
.Ltmp1:
0xf: {  	[sflag:s15] =	ssyncset.done $0x0;
	(pc) =	sbr.rel @!p0 .LBB2_13-.Ltmp1, $4  }
0x10: {  	[sflag:s15] =	ssyncadd.s32 $0xFFFF3800  }
0x11: {  	_ =	swait.ge [sflag:s16], $0xC800  }
0x12: {  	[sflag:s16] =	ssyncset.done $0x0  }
0x13: {  	[sflag:s16] =	ssyncadd.s32 $0xFFFF3800  }
.LBB2_1:
0x14: {  	[tilespmem:s9], [sflag:$0x5] =	stream.linear.gather [hbm4b:s3+s4], $0x13, $0x38;
	[tilespmem:$0x19480] =	vst v63  }
0x15: {  	_ =	swait.ge [sflag:s10], $0x13  }
0x16: {  	[sflag:s10] =	ssyncset.done $0x0  }
0x17: {  	[sflag:s10] =	ssyncadd.s32 $0xFFFFFFED  }
0x18: {  	v33 =	vld [tilespmem:$0x19400];
	_ =	sdelay $0x4  }
0x19: {  	v18 =	vperm.xlane v33, v0  }
0x1a: {  	v19 =	vperm.xlane v33, v1;
	v20 =	vperm.xlane v33, v2  }
0x1b: {  	v21 =	vperm.xlane v33, v3;
	v22 =	vperm.xlane v33, v4  }
0x1c: {  	v36 =	vld [tilespmem:$0x19410];
	v23 =	vperm.xlane v33, v5;
	v24 =	vperm.xlane v33, v6  }
0x1d: {  	v25 =	vperm.xlane v33, v7;
	v26 =	vperm.xlane v33, v8  }
.Ltmp2:
0x1e: {  	v27 =	vperm.xlane v33, v9;
	v28 =	vperm.xlane v33, v10;
	(pc) =	sbr.rel .LBB2_2-.Ltmp2, $4  }
0x1f: {  	v29 =	vperm.xlane v33, v11;
	v30 =	vperm.xlane v33, v12  }
0x20: {  	v31 =	vperm.xlane v33, v13;
	v32 =	vperm.xlane v33, v15  }
0x21: {  	s18 =	simm.s32 $0x0;
	v33 =	vperm.xlane v33, v16;
	v34 =	vperm.xlane v36, v0  }
0x22: {  	[tilespmem:s11], [sflag:$0x3] =	stream.linear.gather [hbm4b:s7+s4], $0x190, $0x38;
	v35 =	vperm.xlane v36, v1;
	v36 =	vperm.xlane v36, v2;
	[tilespmem:$0x19480] =	vst v63  }
.LBB2_11:
0x23: {  	s18 =	sadd.s32 $0x1, s18  }
0x24: {  	p0 =	sne.s32 s18, $0x28  }
.Ltmp3:
0x25: {  	_ = 	snop;
	(pc) =	sbr.rel @!p0 .LBB2_12-.Ltmp3, $1  }
0x26: {  	_ =	sdelay $0x3  }
.LBB2_2:
0x27: {  	s19 =	sshll.u32 s18, $0x6  }
0x28: {  	s20 =	sor.u32 s5, s19  }
0x29: {  	s19 =	sor.u32 $0x20, s20;
	p0 =	sgt.u32 s20, $0x9C3  }
.Ltmp4:
0x2a: {  	p1 =	sgt.u32 s19, $0x9C3;
	(pc) =	sbr.rel @p0 .LBB2_11-.Ltmp4, $3  }
0x2b: {  	s21 =	smul.u32 @!p1 $0x32, s19;
	_ =	sdelay $0x1  }
0x2c: {  	s22 =	simm.s32 @!p1 $0x0;
	s23 =	simm.s32 @!p1 $0x19200;
	s21 =	sadd.s32 @!p1 s2, s21  }
0x2d: {  	[tilespmem:s23], [sflag:$0x4] =	stream.linear.gather @!p1 [hbm4b:s21+s22], $0x190, $0x38;
	[tilespmem:$0x19480] =	vst v63  }
0x2e: {  	_ =	swait.ge [sflag:s12], $0x190  }
0x2f: {  	p0 =	seq.s32 s18, $0x0;
	[sflag:s12] =	ssyncset.done $0x0  }
0x30: {  	s21 =	simm.s32 @!p0 $0x1;
	[sflag:s12] =	ssyncadd.s32 $0xFFFFFE70  }
0x31: {  	_ =	swait.ge @!p0 [sflag:s21], $0xC800  }
0x32: {  	[sflag:s21] =	ssyncset.done @!p0 $0x0  }
0x33: {  	s31 =	simm.s32 $0x0;
	[sflag:s21] =	ssyncadd.s32 @!p0 $0xFFFF3800  }
0x34: {  	v37 =	vld [tilespmem:s31+$0x19000];
	_ =	sdelay $0x4  }
0x35: {  	vm0 =	vgt.f32 v37, v18;
	vm1 =	vgt.f32 v37, v19  }
0x36: {  	vm2 =	vgt.f32 v37, v20;
	v38 =	vsel vm0, $0x1, v0;
	v39 =	vsel vm1, $0x1, v0  }
0x37: {  	vm0 =	vgt.f32 v37, v21;
	v45 =	vsel vm2, $0x1, v0;
	v38 =	vadd.s32 v39, v38  }
0x38: {  	vm1 =	vgt.f32 v37, v22;
	v46 =	vsel vm0, $0x1, v0;
	v38 =	vadd.s32 v45, v38  }
0x39: {  	vm0 =	vgt.f32 v37, v23;
	v47 =	vsel vm1, $0x1, v0;
	v38 =	vadd.s32 v46, v38  }
0x3a: {  	vm1 =	vgt.f32 v37, v24;
	v48 =	vsel vm0, $0x1, v0;
	v38 =	vadd.s32 v47, v38  }
0x3b: {  	vm0 =	vgt.f32 v37, v25;
	v49 =	vsel vm1, $0x1, v0;
	v38 =	vadd.s32 v48, v38  }
0x3c: {  	vm1 =	vgt.f32 v37, v26;
	v50 =	vsel vm0, $0x1, v0;
	v38 =	vadd.s32 v49, v38  }
0x3d: {  	vm0 =	vgt.f32 v37, v27;
	v51 =	vsel vm1, $0x1, v0;
	v38 =	vadd.s32 v50, v38  }
0x3e: {  	vm1 =	vgt.f32 v37, v28;
	v52 =	vsel vm0, $0x1, v0;
	v38 =	vadd.s32 v51, v38  }
0x3f: {  	vm0 =	vgt.f32 v37, v29;
	v53 =	vsel vm1, $0x1, v0;
	v38 =	vadd.s32 v52, v38  }
0x40: {  	vm1 =	vgt.f32 v37, v30;
	v54 =	vsel vm0, $0x1, v0;
	v38 =	vadd.s32 v53, v38  }
0x41: {  	vm0 =	vgt.f32 v37, v31;
	v55 =	vsel vm1, $0x1, v0;
	v38 =	vadd.s32 v54, v38  }
0x42: {  	vm1 =	vgt.f32 v37, v32;
	v56 =	vsel vm0, $0x1, v0;
	v38 =	vadd.s32 v55, v38  }
0x43: {  	vm0 =	vgt.f32 v37, v33;
	v57 =	vsel vm1, $0x1, v0;
	v38 =	vadd.s32 v56, v38  }
0x44: {  	vm1 =	vgt.f32 v37, v34;
	v58 =	vsel vm0, $0x1, v0;
	v38 =	vadd.s32 v57, v38  }
0x45: {  	vm0 =	vgt.f32 v37, v35;
	v59 =	vsel vm1, $0x1, v0;
	v38 =	vadd.s32 v58, v38  }
0x46: {  	vm1 =	vgt.f32 v37, v36;
	v61 =	vsel vm0, $0x1, v0;
	v60 =	vadd.s32 v59, v38  }
0x47: {  	v62 =	vsel vm1, $0x1, v0;
	v37 =	vadd.s32 v61, v60  }
0x48: {  	v37 =	vadd.s32 v62, v37  }
0x49: {  	v63 =	vperm.xlane v37, v0;
	v38 =	vperm.xlane v37, v16  }
0x4a: {  	v40 =	vperm.xlane v37, v2;
	v42 =	vperm.xlane v37, v6  }
0x4b: {  	v39 =	vperm.xlane v37, v15;
	vm0 =	veq.s32 v63, v14;
	vm2 =	veq.s32 v63, v17  }
0x4c: {  	s21 =	simm.s32 $0x400;
	vm1 =	veq.s32 v38, v14;
	v41 =	vsel vm0, $0x1, v0;
	vm0 =	veq.s32 v40, v14  }
0x4d: {  	s22 =	simm.s32 $0x40;
	s23 =	simm.s32 $0x400;
	vm3 =	veq.s32 v42, v17;
	[tilespmem:s21+$0xFFFFFC00] =	vst v41;
	v41 =	vsel vm0, $0x1, v0;
	vm0 =	veq.s32 v42, v14  }
.LBB2_4:
0x4e: {  	p2 =	sne.s32 s22, $0x600  }
0x4f: {  	v42 =	vsel vm2, $0x1, v0;
	[tilespmem:s21+$0xFFFFFD00] =	vst v41;
	vm2 =	veq.s32 v40, v17;
	v40 =	vsel vm3, $0x1, v0;
	s23 =	sadd.s32 $0x800, s23;
	s24 =	smov.u32 s22;
	s22 =	sadd.s32 $0x40, s22  }
0x50: {  	v43 =	vsel vm1, $0x1, v0;
	[tilespmem:s21+$0xFFFFFC05] =	vst v42;
	v41 =	vsel vm2, $0x1, v0;
	v42 =	vperm.xlane v37, v13  }
0x51: {  	v44 =	vperm.xlane v37, v5;
	v45 =	vperm.xlane v37, v10;
	vm1 =	veq.s32 v39, v14;
	[tilespmem:s21+$0x380] =	vst v43  }
0x52: {  	v46 =	vsel vm1, $0x1, v0;
	v43 =	vperm.xlane v37, v1;
	[tilespmem:s21+$0xFFFFFD05] =	vst v41;
	v41 =	vperm.xlane v37, v9  }
0x53: {  	v47 =	vperm.xlane v37, v12;
	vm2 =	veq.s32 v42, v14;
	vm1 =	veq.s32 v42, v17;
	[tilespmem:s21+$0x300] =	vst v46  }
0x54: {  	vm4 =	veq.s32 v39, v17;
	v42 =	vperm.xlane v37, v11;
	vm3 =	veq.s32 v43, v14  }
0x55: {  	v48 =	vperm.xlane v37, v8;
	v46 =	vsel vm0, $0x1, v0;
	v39 =	vsel vm3, $0x1, v0  }
0x56: {  	v49 =	vperm.xlane v37, v4;
	vm3 =	veq.s32 v45, v14;
	[tilespmem:s21+$0xFFFFFF00] =	vst v46;
	v46 =	vsel vm4, $0x1, v0  }
0x57: {  	vm5 =	veq.s32 v38, v17;
	vm0 =	veq.s32 v43, v17;
	vm4 =	veq.s32 v47, v14;
	[tilespmem:s21+$0xFFFFFC80] =	vst v39  }
0x58: {  	vm6 =	veq.s32 v44, v14;
	v38 =	vsel vm0, $0x1, v0;
	vm0 =	veq.s32 v42, v17;
	[tilespmem:s21+$0xFFFFFF05] =	vst v40  }
0x59: {  	vm7 =	veq.s32 v42, v14;
	[tilespmem:s21+$0xFFFFFC85] =	vst v38;
	v38 =	vsel vm6, $0x1, v0;
	vm6 =	veq.s32 v44, v17  }
0x5a: {  	vm8 =	veq.s32 v49, v14;
	vm9 =	veq.s32 v49, v17;
	[tilespmem:s21+$0xFFFFFE80] =	vst v38;
	v38 =	vsel vm5, $0x1, v0  }
0x5b: {  	vm10 =	veq.s32 v48, v17;
	v39 =	vsel vm2, $0x1, v0;
	vm5 =	veq.s32 v48, v14;
	[tilespmem:s21+$0x305] =	vst v46  }
0x5c: {  	v40 =	vsel vm8, $0x1, v0;
	v42 =	vsel vm6, $0x1, v0;
	v43 =	vsel vm5, $0x1, v0;
	[tilespmem:s21+$0x280] =	vst v39  }
0x5d: {  	v44 =	vsel vm1, $0x1, v0;
	v39 =	vsel vm10, $0x1, v0;
	[tilespmem:s21+$0xFFFFFE00] =	vst v40;
	v40 =	vsel vm4, $0x1, v0  }
0x5e: {  	vm1 =	veq.s32 v47, v17;
	v48 =	vsel vm7, $0x1, v0;
	v46 =	vsel vm3, $0x1, v0;
	[tilespmem:s21+$0x200] =	vst v40  }
0x5f: {  	vm2 =	veq.s32 v41, v14;
	vm3 =	veq.s32 v41, v17;
	vm4 =	veq.s32 v45, v17;
	[tilespmem:s21+$0x100] =	vst v46  }
0x60: {  	v41 =	vsel vm9, $0x1, v0;
	v40 =	vperm.xlane v37, v3;
	[tilespmem:s21+$0x0] =	vst v43;
	v43 =	vsel vm2, $0x1, v0  }
0x61: {  	v45 =	vsel vm1, $0x1, v0;
	v37 =	vperm.xlane v37, v7;
	[tilespmem:s21+$0x385] =	vst v38  }
0x62: {  	vm1 =	veq.s32 v40, v14;
	vm2 =	veq.s32 v40, v17;
	[tilespmem:s21+$0x180] =	vst v48  }
0x63: {  	v40 =	vsel vm3, $0x1, v0;
	v38 =	vsel vm1, $0x1, v0;
	vm1 =	veq.s32 v37, v14;
	[tilespmem:s21+$0x205] =	vst v45  }
0x64: {  	v45 =	vsel vm1, $0x1, v0;
	vm1 =	veq.s32 v37, v17;
	[tilespmem:s21+$0xFFFFFD80] =	vst v38;
	v38 =	vsel vm2, $0x1, v0  }
0x65: {  	v37 =	vsel vm4, $0x1, v0;
	[tilespmem:s21+$0xFFFFFD85] =	vst v38  }
0x66: {  	[tilespmem:s21+$0x80] =	vst v43  }
0x67: {  	v38 =	vsel vm0, $0x1, v0;
	[tilespmem:s21+$0x5] =	vst v39  }
0x68: {  	v39 =	vsel vm1, $0x1, v0;
	[tilespmem:s21+$0xFFFFFF80] =	vst v45  }
0x69: {  	[tilespmem:s21+$0x285] =	vst v44  }
0x6a: {  	[tilespmem:s21+$0xFFFFFF85] =	vst v39  }
0x6b: {  	[tilespmem:s21+$0x85] =	vst v40  }
0x6c: {  	[tilespmem:s21+$0xFFFFFE05] =	vst v41  }
0x6d: {  	[tilespmem:s21+$0xFFFFFE85] =	vst v42  }
0x6e: {  	[tilespmem:s21+$0x185] =	vst v38  }
0x6f: {  	s24 =	sshra.s32 s24, $0x2;
	[tilespmem:s21+$0x105] =	vst v37;
	s21 =	smov.u32 s23  }
0x70: {  	v37 =	vld [tilespmem:s24+$0x19000];
	_ =	sdelay $0x4  }
0x71: {  	vm0 =	vgt.f32 v37, v18;
	vm1 =	vgt.f32 v37, v19;
	vm2 =	vgt.f32 v37, v20  }
0x72: {  	v38 =	vsel vm0, $0x1, v0;
	v39 =	vsel vm1, $0x1, v0;
	vm0 =	vgt.f32 v37, v21  }
0x73: {  	vm1 =	vgt.f32 v37, v22;
	v38 =	vadd.s32 v39, v38;
	v39 =	vsel vm2, $0x1, v0  }
0x74: {  	v38 =	vadd.s32 v39, v38;
	v39 =	vsel vm0, $0x1, v0;
	vm0 =	vgt.f32 v37, v23  }
0x75: {  	v38 =	vadd.s32 v39, v38;
	v39 =	vsel vm1, $0x1, v0;
	vm1 =	vgt.f32 v37, v24  }
0x76: {  	v38 =	vadd.s32 v39, v38;
	v39 =	vsel vm0, $0x1, v0;
	vm0 =	vgt.f32 v37, v25  }
0x77: {  	v38 =	vadd.s32 v39, v38;
	v39 =	vsel vm1, $0x1, v0;
	vm1 =	vgt.f32 v37, v26  }
0x78: {  	v38 =	vadd.s32 v39, v38;
	v39 =	vsel vm0, $0x1, v0;
	vm0 =	vgt.f32 v37, v27  }
0x79: {  	v38 =	vadd.s32 v39, v38;
	v39 =	vsel vm1, $0x1, v0;
	vm1 =	vgt.f32 v37, v28  }
0x7a: {  	v38 =	vadd.s32 v39, v38;
	v39 =	vsel vm0, $0x1, v0;
	vm0 =	vgt.f32 v37, v29  }
0x7b: {  	v38 =	vadd.s32 v39, v38;
	v39 =	vsel vm1, $0x1, v0;
	vm1 =	vgt.f32 v37, v30  }
0x7c: {  	v38 =	vadd.s32 v39, v38;
	v39 =	vsel vm0, $0x1, v0;
	vm0 =	vgt.f32 v37, v31  }
0x7d: {  	v38 =	vadd.s32 v39, v38;
	v39 =	vsel vm1, $0x1, v0;
	vm1 =	vgt.f32 v37, v32  }
0x7e: {  	v38 =	vadd.s32 v39, v38;
	v39 =	vsel vm0, $0x1, v0;
	vm0 =	vgt.f32 v37, v33  }
0x7f: {  	v38 =	vadd.s32 v39, v38;
	v39 =	vsel vm1, $0x1, v0;
	vm1 =	vgt.f32 v37, v34  }
0x80: {  	v38 =	vadd.s32 v39, v38;
	v39 =	vsel vm0, $0x1, v0;
	vm0 =	vgt.f32 v37, v35  }
0x81: {  	v38 =	vadd.s32 v39, v38;
	v39 =	vsel vm1, $0x1, v0;
	vm1 =	vgt.f32 v37, v36  }
0x82: {  	v37 =	vadd.s32 v39, v38;
	v38 =	vsel vm0, $0x1, v0  }
0x83: {  	v37 =	vadd.s32 v38, v37;
	v38 =	vsel vm1, $0x1, v0  }
0x84: {  	v37 =	vadd.s32 v38, v37  }
.Ltmp5:
0x85: {  	v39 =	vperm.xlane v37, v0;
	v38 =	vperm.xlane v37, v16;
	(pc) =	sbr.rel @p2 .LBB2_4-.Ltmp5, $4  }
0x86: {  	v40 =	vperm.xlane v37, v2;
	v42 =	vperm.xlane v37, v6  }
0x87: {  	vm0 =	veq.s32 v39, v14;
	vm2 =	veq.s32 v39, v17;
	vm1 =	veq.s32 v38, v14  }
0x88: {  	v39 =	vperm.xlane v37, v15;
	v41 =	vsel vm0, $0x1, v0;
	vm0 =	veq.s32 v40, v14  }
0x89: {  	vm3 =	veq.s32 v42, v17;
	[tilespmem:s23+$0xFFFFFC00] =	vst v41;
	v41 =	vsel vm0, $0x1, v0;
	vm0 =	veq.s32 v42, v14  }
0x8a: {  	v42 =	vsel vm2, $0x1, v0;
	[tilespmem:s21+$0xFFFFFD00] =	vst v41  }
0x8b: {  	v50 =	vsel vm1, $0x1, v0;
	[tilespmem:s21+$0xFFFFFC05] =	vst v42  }
0x8c: {  	vm14 =	veq.s32 v40, v17;
	v54 =	vsel vm0, $0x1, v0;
	[tilespmem:s21+$0x380] =	vst v50  }
0x8d: {  	vm15 =	veq.s32 v39, v14;
	v51 =	vsel vm14, $0x1, v0;
	[tilespmem:s21+$0xFFFFFF00] =	vst v54  }
0x8e: {  	v53 =	vsel vm15, $0x1, v0;
	[tilespmem:s21+$0xFFFFFD05] =	vst v51  }
0x8f: {  	v52 =	vperm.xlane v37, v1;
	v55 =	vsel vm3, $0x1, v0;
	vm13 =	veq.s32 v38, v17;
	[tilespmem:s21+$0x300] =	vst v53  }
0x90: {  	v40 =	vperm.xlane v37, v13;
	vm7 =	veq.s32 v39, v17;
	v63 =	vsel vm13, $0x1, v0;
	[tilespmem:s21+$0xFFFFFF05] =	vst v55  }
0x91: {  	v39 =	vperm.xlane v37, v4;
	v44 =	vsel vm7, $0x1, v0;
	vm4 =	veq.s32 v52, v14;
	[tilespmem:s21+$0x385] =	vst v63  }
0x92: {  	v58 =	vperm.xlane v37, v12;
	vm8 =	veq.s32 v40, v14;
	v43 =	vsel vm4, $0x1, v0;
	[tilespmem:s21+$0x305] =	vst v44  }
0x93: {  	v41 =	vperm.xlane v37, v10;
	vm9 =	veq.s32 v39, v14;
	v45 =	vsel vm8, $0x1, v0;
	[tilespmem:s21+$0xFFFFFC80] =	vst v43  }
0x94: {  	v59 =	vperm.xlane v37, v8;
	vm10 =	veq.s32 v58, v14;
	v46 =	vsel vm9, $0x1, v0;
	[tilespmem:s21+$0x280] =	vst v45  }
0x95: {  	v61 =	vperm.xlane v37, v11;
	vm11 =	veq.s32 v41, v14;
	v60 =	vsel vm10, $0x1, v0;
	[tilespmem:s21+$0xFFFFFE00] =	vst v46  }
0x96: {  	vm12 =	veq.s32 v59, v14;
	v47 =	vsel vm11, $0x1, v0;
	[tilespmem:s21+$0x200] =	vst v60  }
0x97: {  	v42 =	vperm.xlane v37, v5;
	vm14 =	veq.s32 v61, v14;
	v62 =	vsel vm12, $0x1, v0;
	[tilespmem:s21+$0x100] =	vst v47  }
0x98: {  	vm5 =	veq.s32 v52, v17;
	v49 =	vsel vm14, $0x1, v0;
	[tilespmem:s21+$0x0] =	vst v62  }
0x99: {  	v48 =	vperm.xlane v37, v3;
	v56 =	vsel vm5, $0x1, v0;
	vm6 =	veq.s32 v42, v14;
	[tilespmem:s21+$0x180] =	vst v49  }
0x9a: {  	vm15 =	veq.s32 v58, v17;
	v57 =	vsel vm6, $0x1, v0;
	[tilespmem:s21+$0xFFFFFC85] =	vst v56  }
0x9b: {  	v51 =	vsel vm15, $0x1, v0;
	vm4 =	veq.s32 v48, v14;
	[tilespmem:s21+$0xFFFFFE80] =	vst v57  }
0x9c: {  	vm9 =	veq.s32 v40, v17;
	v52 =	vsel vm4, $0x1, v0;
	[tilespmem:s21+$0x205] =	vst v51  }
0x9d: {  	vm12 =	veq.s32 v39, v17;
	v58 =	vsel vm9, $0x1, v0;
	[tilespmem:s21+$0xFFFFFD80] =	vst v52  }
0x9e: {  	vm14 =	veq.s32 v61, v17;
	v60 =	vsel vm12, $0x1, v0;
	[tilespmem:s21+$0x285] =	vst v58  }
0x9f: {  	v50 =	vperm.xlane v37, v9;
	vm15 =	veq.s32 v41, v17;
	v62 =	vsel vm14, $0x1, v0;
	[tilespmem:s21+$0xFFFFFE05] =	vst v60  }
0xa0: {  	vm5 =	veq.s32 v48, v17;
	v63 =	vsel vm15, $0x1, v0;
	[tilespmem:s21+$0x185] =	vst v62  }
0xa1: {  	v53 =	vperm.xlane v37, v7;
	vm6 =	veq.s32 v50, v14;
	v54 =	vsel vm5, $0x1, v0;
	[tilespmem:s21+$0x105] =	vst v63  }
0xa2: {  	vm7 =	veq.s32 v59, v17;
	v55 =	vsel vm6, $0x1, v0;
	[tilespmem:s21+$0xFFFFFD85] =	vst v54  }
0xa3: {  	vm8 =	veq.s32 v53, v14;
	v56 =	vsel vm7, $0x1, v0;
	[tilespmem:s21+$0x80] =	vst v55  }
0xa4: {  	p2 =	sgt.u32 s20, $0x983;
	vm13 =	veq.s32 v42, v17;
	v57 =	vsel vm8, $0x1, v0;
	[tilespmem:s21+$0x5] =	vst v56  }
.Ltmp6:
0xa5: {  	vm10 =	veq.s32 v53, v17;
	v61 =	vsel vm13, $0x1, v0;
	[tilespmem:s21+$0xFFFFFF80] =	vst v57;
	(pc) =	sbr.rel @p2 .LBB2_7-.Ltmp6, $4  }
0xa6: {  	s22 =	smul.u32 $0x1900, s20;
	vm11 =	veq.s32 v50, v17;
	v37 =	vsel vm10, $0x1, v0;
	[tilespmem:s21+$0xFFFFFE85] =	vst v61  }
0xa7: {  	v59 =	vsel vm11, $0x1, v0;
	[tilespmem:s21+$0xFFFFFF85] =	vst v37  }
0xa8: {  	s31 =	sadd.s32 s6, s22;
	[tilespmem:s21+$0x85] =	vst v59  }
0xa9: {  	[hbm4b:s31+s4] =	stream.linear.scatter [tilespmem:s4], [sflag:$0x1], $0xC800, $0x38;
	[tilespmem:$0x19480] =	vst v63  }
0xaa: {  	s20 =	smul.u32 $0x190, s20  }
.Ltmp7:
0xab: {  	_ = 	snop;
	(pc) =	sbr.rel .LBB2_8-.Ltmp7, $4  }
0xac: {  	s20 =	sshrl.u32 s20, $0x3  }
0xad: {  	s20 =	sadd.s32 s2, s20  }
0xae: {  	s20 =	sadd.s32 $0xC80, s20  }
0xaf: {  	[tilespmem:s11], [sflag:$0x3] =	stream.linear.gather [hbm4b:s20+s4], $0x190, $0x38;
	[tilespmem:$0x19480] =	vst v63  }
.LBB2_7:
.Ltmp8:
0xb0: {  	(pc) =	sbr.rel @p1 .LBB2_11-.Ltmp8, $1  }
0xb1: {  	_ =	sdelay $0x3  }
.LBB2_8:
0xb2: {  	_ =	swait.ge [sflag:s13], $0x190;
	p1 =	sgt.u32 @!p0 s19, $0x9C3  }
0xb3: {  	[sflag:s13] =	ssyncset.done $0x0;
	p0 =	por p1, p0  }
0xb4: {  	[sflag:s13] =	ssyncadd.s32 $0xFFFFFE70;
	s20 =	simm.s32 @!p0 $0x2  }
0xb5: {  	_ =	swait.ge @!p0 [sflag:s20], $0xC800  }
0xb6: {  	[sflag:s20] =	ssyncset.done @!p0 $0x0  }
0xb7: {  	s31 =	simm.s32 $0x0;
	[sflag:s20] =	ssyncadd.s32 @!p0 $0xFFFF3800  }
0xb8: {  	v37 =	vld [tilespmem:s31+$0x19200];
	_ =	sdelay $0x4  }
0xb9: {  	vm0 =	vgt.f32 v37, v18;
	vm1 =	vgt.f32 v37, v19  }
0xba: {  	vm2 =	vgt.f32 v37, v20;
	v38 =	vsel vm0, $0x1, v0;
	v39 =	vsel vm1, $0x1, v0  }
0xbb: {  	vm0 =	vgt.f32 v37, v21;
	v45 =	vsel vm2, $0x1, v0;
	v38 =	vadd.s32 v39, v38  }
0xbc: {  	vm1 =	vgt.f32 v37, v22;
	v46 =	vsel vm0, $0x1, v0;
	v38 =	vadd.s32 v45, v38  }
0xbd: {  	vm0 =	vgt.f32 v37, v23;
	v47 =	vsel vm1, $0x1, v0;
	v38 =	vadd.s32 v46, v38  }
0xbe: {  	vm1 =	vgt.f32 v37, v24;
	v48 =	vsel vm0, $0x1, v0;
	v38 =	vadd.s32 v47, v38  }
0xbf: {  	vm0 =	vgt.f32 v37, v25;
	v49 =	vsel vm1, $0x1, v0;
	v38 =	vadd.s32 v48, v38  }
0xc0: {  	vm1 =	vgt.f32 v37, v26;
	v50 =	vsel vm0, $0x1, v0;
	v38 =	vadd.s32 v49, v38  }
0xc1: {  	vm0 =	vgt.f32 v37, v27;
	v51 =	vsel vm1, $0x1, v0;
	v38 =	vadd.s32 v50, v38  }
0xc2: {  	vm1 =	vgt.f32 v37, v28;
	v52 =	vsel vm0, $0x1, v0;
	v38 =	vadd.s32 v51, v38  }
0xc3: {  	vm0 =	vgt.f32 v37, v29;
	v53 =	vsel vm1, $0x1, v0;
	v38 =	vadd.s32 v52, v38  }
0xc4: {  	vm1 =	vgt.f32 v37, v30;
	v54 =	vsel vm0, $0x1, v0;
	v38 =	vadd.s32 v53, v38  }
0xc5: {  	vm0 =	vgt.f32 v37, v31;
	v55 =	vsel vm1, $0x1, v0;
	v38 =	vadd.s32 v54, v38  }
0xc6: {  	vm1 =	vgt.f32 v37, v32;
	v56 =	vsel vm0, $0x1, v0;
	v38 =	vadd.s32 v55, v38  }
0xc7: {  	vm0 =	vgt.f32 v37, v33;
	v57 =	vsel vm1, $0x1, v0;
	v38 =	vadd.s32 v56, v38  }
0xc8: {  	vm1 =	vgt.f32 v37, v34;
	v58 =	vsel vm0, $0x1, v0;
	v38 =	vadd.s32 v57, v38  }
0xc9: {  	vm0 =	vgt.f32 v37, v35;
	v59 =	vsel vm1, $0x1, v0;
	v38 =	vadd.s32 v58, v38  }
0xca: {  	vm1 =	vgt.f32 v37, v36;
	v61 =	vsel vm0, $0x1, v0;
	v60 =	vadd.s32 v59, v38  }
0xcb: {  	v62 =	vsel vm1, $0x1, v0;
	v37 =	vadd.s32 v61, v60  }
0xcc: {  	v37 =	vadd.s32 v62, v37  }
0xcd: {  	v63 =	vperm.xlane v37, v0;
	v38 =	vperm.xlane v37, v16  }
0xce: {  	v40 =	vperm.xlane v37, v2;
	v42 =	vperm.xlane v37, v6  }
0xcf: {  	v39 =	vperm.xlane v37, v15;
	vm0 =	veq.s32 v63, v14;
	vm2 =	veq.s32 v63, v17  }
0xd0: {  	s20 =	simm.s32 $0xCC00;
	vm1 =	veq.s32 v38, v14;
	v41 =	vsel vm0, $0x1, v0;
	vm0 =	veq.s32 v40, v14  }
0xd1: {  	s21 =	simm.s32 $0x40;
	s22 =	simm.s32 $0xCC00;
	vm3 =	veq.s32 v42, v17;
	[tilespmem:s20+$0xFFFFFC00] =	vst v41;
	v41 =	vsel vm0, $0x1, v0;
	vm0 =	veq.s32 v42, v14  }
.LBB2_9:
0xd2: {  	p0 =	sne.s32 s21, $0x600  }
0xd3: {  	v42 =	vsel vm2, $0x1, v0;
	[tilespmem:s20+$0xFFFFFD00] =	vst v41;
	vm2 =	veq.s32 v40, v17;
	v40 =	vsel vm3, $0x1, v0;
	s22 =	sadd.s32 $0x800, s22;
	s23 =	smov.u32 s21;
	s21 =	sadd.s32 $0x40, s21  }
0xd4: {  	v43 =	vsel vm1, $0x1, v0;
	[tilespmem:s20+$0xFFFFFC05] =	vst v42;
	v41 =	vsel vm2, $0x1, v0;
	v42 =	vperm.xlane v37, v13  }
0xd5: {  	v44 =	vperm.xlane v37, v5;
	v45 =	vperm.xlane v37, v10;
	vm1 =	veq.s32 v39, v14;
	[tilespmem:s20+$0x380] =	vst v43  }
0xd6: {  	v46 =	vsel vm1, $0x1, v0;
	v43 =	vperm.xlane v37, v1;
	[tilespmem:s20+$0xFFFFFD05] =	vst v41;
	v41 =	vperm.xlane v37, v9  }
0xd7: {  	v47 =	vperm.xlane v37, v12;
	vm2 =	veq.s32 v42, v14;
	vm1 =	veq.s32 v42, v17;
	[tilespmem:s20+$0x300] =	vst v46  }
0xd8: {  	vm4 =	veq.s32 v39, v17;
	v42 =	vperm.xlane v37, v11;
	vm3 =	veq.s32 v43, v14  }
0xd9: {  	v48 =	vperm.xlane v37, v8;
	v46 =	vsel vm0, $0x1, v0;
	v39 =	vsel vm3, $0x1, v0  }
0xda: {  	v49 =	vperm.xlane v37, v4;
	vm3 =	veq.s32 v45, v14;
	[tilespmem:s20+$0xFFFFFF00] =	vst v46;
	v46 =	vsel vm4, $0x1, v0  }
0xdb: {  	vm5 =	veq.s32 v38, v17;
	vm0 =	veq.s32 v43, v17;
	vm4 =	veq.s32 v47, v14;
	[tilespmem:s20+$0xFFFFFC80] =	vst v39  }
0xdc: {  	vm6 =	veq.s32 v44, v14;
	v38 =	vsel vm0, $0x1, v0;
	vm0 =	veq.s32 v42, v17;
	[tilespmem:s20+$0xFFFFFF05] =	vst v40  }
0xdd: {  	vm7 =	veq.s32 v42, v14;
	[tilespmem:s20+$0xFFFFFC85] =	vst v38;
	v38 =	vsel vm6, $0x1, v0;
	vm6 =	veq.s32 v44, v17  }
0xde: {  	vm8 =	veq.s32 v49, v14;
	vm9 =	veq.s32 v49, v17;
	[tilespmem:s20+$0xFFFFFE80] =	vst v38;
	v38 =	vsel vm5, $0x1, v0  }
0xdf: {  	vm10 =	veq.s32 v48, v17;
	v39 =	vsel vm2, $0x1, v0;
	vm5 =	veq.s32 v48, v14;
	[tilespmem:s20+$0x305] =	vst v46  }
0xe0: {  	v40 =	vsel vm8, $0x1, v0;
	v42 =	vsel vm6, $0x1, v0;
	v43 =	vsel vm5, $0x1, v0;
	[tilespmem:s20+$0x280] =	vst v39  }
0xe1: {  	v44 =	vsel vm1, $0x1, v0;
	v39 =	vsel vm10, $0x1, v0;
	[tilespmem:s20+$0xFFFFFE00] =	vst v40;
	v40 =	vsel vm4, $0x1, v0  }
0xe2: {  	vm1 =	veq.s32 v47, v17;
	v48 =	vsel vm7, $0x1, v0;
	v46 =	vsel vm3, $0x1, v0;
	[tilespmem:s20+$0x200] =	vst v40  }
0xe3: {  	vm2 =	veq.s32 v41, v14;
	vm3 =	veq.s32 v41, v17;
	vm4 =	veq.s32 v45, v17;
	[tilespmem:s20+$0x100] =	vst v46  }
0xe4: {  	v41 =	vsel vm9, $0x1, v0;
	v40 =	vperm.xlane v37, v3;
	[tilespmem:s20+$0x0] =	vst v43;
	v43 =	vsel vm2, $0x1, v0  }
0xe5: {  	v45 =	vsel vm1, $0x1, v0;
	v37 =	vperm.xlane v37, v7;
	[tilespmem:s20+$0x385] =	vst v38  }
0xe6: {  	vm1 =	veq.s32 v40, v14;
	vm2 =	veq.s32 v40, v17;
	[tilespmem:s20+$0x180] =	vst v48  }
0xe7: {  	v40 =	vsel vm3, $0x1, v0;
	v38 =	vsel vm1, $0x1, v0;
	vm1 =	veq.s32 v37, v14;
	[tilespmem:s20+$0x205] =	vst v45  }
0xe8: {  	v45 =	vsel vm1, $0x1, v0;
	vm1 =	veq.s32 v37, v17;
	[tilespmem:s20+$0xFFFFFD80] =	vst v38;
	v38 =	vsel vm2, $0x1, v0  }
0xe9: {  	v37 =	vsel vm4, $0x1, v0;
	[tilespmem:s20+$0xFFFFFD85] =	vst v38  }
0xea: {  	[tilespmem:s20+$0x80] =	vst v43  }
0xeb: {  	v38 =	vsel vm0, $0x1, v0;
	[tilespmem:s20+$0x5] =	vst v39  }
0xec: {  	v39 =	vsel vm1, $0x1, v0;
	[tilespmem:s20+$0xFFFFFF80] =	vst v45  }
0xed: {  	[tilespmem:s20+$0x285] =	vst v44  }
0xee: {  	[tilespmem:s20+$0xFFFFFF85] =	vst v39  }
0xef: {  	[tilespmem:s20+$0x85] =	vst v40  }
0xf0: {  	[tilespmem:s20+$0xFFFFFE05] =	vst v41  }
0xf1: {  	[tilespmem:s20+$0xFFFFFE85] =	vst v42  }
0xf2: {  	[tilespmem:s20+$0x185] =	vst v38  }
0xf3: {  	s23 =	sshra.s32 s23, $0x2;
	[tilespmem:s20+$0x105] =	vst v37;
	s20 =	smov.u32 s22  }
0xf4: {  	v37 =	vld [tilespmem:s23+$0x19200];
	_ =	sdelay $0x4  }
0xf5: {  	vm0 =	vgt.f32 v37, v18;
	vm1 =	vgt.f32 v37, v19;
	vm2 =	vgt.f32 v37, v20  }
0xf6: {  	v38 =	vsel vm0, $0x1, v0;
	v39 =	vsel vm1, $0x1, v0;
	vm0 =	vgt.f32 v37, v21  }
0xf7: {  	vm1 =	vgt.f32 v37, v22;
	v38 =	vadd.s32 v39, v38;
	v39 =	vsel vm2, $0x1, v0  }
0xf8: {  	v38 =	vadd.s32 v39, v38;
	v39 =	vsel vm0, $0x1, v0;
	vm0 =	vgt.f32 v37, v23  }
0xf9: {  	v38 =	vadd.s32 v39, v38;
	v39 =	vsel vm1, $0x1, v0;
	vm1 =	vgt.f32 v37, v24  }
0xfa: {  	v38 =	vadd.s32 v39, v38;
	v39 =	vsel vm0, $0x1, v0;
	vm0 =	vgt.f32 v37, v25  }
0xfb: {  	v38 =	vadd.s32 v39, v38;
	v39 =	vsel vm1, $0x1, v0;
	vm1 =	vgt.f32 v37, v26  }
0xfc: {  	v38 =	vadd.s32 v39, v38;
	v39 =	vsel vm0, $0x1, v0;
	vm0 =	vgt.f32 v37, v27  }
0xfd: {  	v38 =	vadd.s32 v39, v38;
	v39 =	vsel vm1, $0x1, v0;
	vm1 =	vgt.f32 v37, v28  }
0xfe: {  	v38 =	vadd.s32 v39, v38;
	v39 =	vsel vm0, $0x1, v0;
	vm0 =	vgt.f32 v37, v29  }
0xff: {  	v38 =	vadd.s32 v39, v38;
	v39 =	vsel vm1, $0x1, v0;
	vm1 =	vgt.f32 v37, v30  }
0x100: {  	v38 =	vadd.s32 v39, v38;
	v39 =	vsel vm0, $0x1, v0;
	vm0 =	vgt.f32 v37, v31  }
0x101: {  	v38 =	vadd.s32 v39, v38;
	v39 =	vsel vm1, $0x1, v0;
	vm1 =	vgt.f32 v37, v32  }
0x102: {  	v38 =	vadd.s32 v39, v38;
	v39 =	vsel vm0, $0x1, v0;
	vm0 =	vgt.f32 v37, v33  }
0x103: {  	v38 =	vadd.s32 v39, v38;
	v39 =	vsel vm1, $0x1, v0;
	vm1 =	vgt.f32 v37, v34  }
0x104: {  	v38 =	vadd.s32 v39, v38;
	v39 =	vsel vm0, $0x1, v0;
	vm0 =	vgt.f32 v37, v35  }
0x105: {  	v38 =	vadd.s32 v39, v38;
	v39 =	vsel vm1, $0x1, v0;
	vm1 =	vgt.f32 v37, v36  }
0x106: {  	v37 =	vadd.s32 v39, v38;
	v38 =	vsel vm0, $0x1, v0  }
0x107: {  	v37 =	vadd.s32 v38, v37;
	v38 =	vsel vm1, $0x1, v0  }
0x108: {  	v37 =	vadd.s32 v38, v37  }
.Ltmp9:
0x109: {  	v39 =	vperm.xlane v37, v0;
	v38 =	vperm.xlane v37, v16;
	(pc) =	sbr.rel @p0 .LBB2_9-.Ltmp9, $4  }
0x10a: {  	v40 =	vperm.xlane v37, v2;
	v42 =	vperm.xlane v37, v6  }
0x10b: {  	vm0 =	veq.s32 v39, v14;
	vm2 =	veq.s32 v39, v17;
	vm1 =	veq.s32 v38, v14  }
0x10c: {  	v39 =	vperm.xlane v37, v15;
	v41 =	vsel vm0, $0x1, v0;
	vm0 =	veq.s32 v40, v14  }
0x10d: {  	vm3 =	veq.s32 v42, v17;
	[tilespmem:s22+$0xFFFFFC00] =	vst v41;
	v41 =	vsel vm0, $0x1, v0;
	vm0 =	veq.s32 v42, v14  }
0x10e: {  	v42 =	vsel vm2, $0x1, v0;
	[tilespmem:s20+$0xFFFFFD00] =	vst v41  }
0x10f: {  	v50 =	vsel vm1, $0x1, v0;
	[tilespmem:s20+$0xFFFFFC05] =	vst v42  }
0x110: {  	vm14 =	veq.s32 v40, v17;
	v54 =	vsel vm0, $0x1, v0;
	[tilespmem:s20+$0x380] =	vst v50  }
0x111: {  	vm15 =	veq.s32 v39, v14;
	v51 =	vsel vm14, $0x1, v0;
	[tilespmem:s20+$0xFFFFFF00] =	vst v54  }
0x112: {  	v53 =	vsel vm15, $0x1, v0;
	[tilespmem:s20+$0xFFFFFD05] =	vst v51  }
0x113: {  	v52 =	vperm.xlane v37, v1;
	v55 =	vsel vm3, $0x1, v0;
	vm13 =	veq.s32 v38, v17;
	[tilespmem:s20+$0x300] =	vst v53  }
0x114: {  	v40 =	vperm.xlane v37, v13;
	vm7 =	veq.s32 v39, v17;
	v63 =	vsel vm13, $0x1, v0;
	[tilespmem:s20+$0xFFFFFF05] =	vst v55  }
0x115: {  	v39 =	vperm.xlane v37, v4;
	v44 =	vsel vm7, $0x1, v0;
	vm4 =	veq.s32 v52, v14;
	[tilespmem:s20+$0x385] =	vst v63  }
0x116: {  	v58 =	vperm.xlane v37, v12;
	vm8 =	veq.s32 v40, v14;
	v43 =	vsel vm4, $0x1, v0;
	[tilespmem:s20+$0x305] =	vst v44  }
0x117: {  	v41 =	vperm.xlane v37, v10;
	vm9 =	veq.s32 v39, v14;
	v45 =	vsel vm8, $0x1, v0;
	[tilespmem:s20+$0xFFFFFC80] =	vst v43  }
0x118: {  	v59 =	vperm.xlane v37, v8;
	vm10 =	veq.s32 v58, v14;
	v46 =	vsel vm9, $0x1, v0;
	[tilespmem:s20+$0x280] =	vst v45  }
0x119: {  	v61 =	vperm.xlane v37, v11;
	vm11 =	veq.s32 v41, v14;
	v60 =	vsel vm10, $0x1, v0;
	[tilespmem:s20+$0xFFFFFE00] =	vst v46  }
0x11a: {  	vm12 =	veq.s32 v59, v14;
	v47 =	vsel vm11, $0x1, v0;
	[tilespmem:s20+$0x200] =	vst v60  }
0x11b: {  	v42 =	vperm.xlane v37, v5;
	vm14 =	veq.s32 v61, v14;
	v62 =	vsel vm12, $0x1, v0;
	[tilespmem:s20+$0x100] =	vst v47  }
0x11c: {  	vm5 =	veq.s32 v52, v17;
	v49 =	vsel vm14, $0x1, v0;
	[tilespmem:s20+$0x0] =	vst v62  }
0x11d: {  	v48 =	vperm.xlane v37, v3;
	v56 =	vsel vm5, $0x1, v0;
	vm6 =	veq.s32 v42, v14;
	[tilespmem:s20+$0x180] =	vst v49  }
0x11e: {  	vm15 =	veq.s32 v58, v17;
	v57 =	vsel vm6, $0x1, v0;
	[tilespmem:s20+$0xFFFFFC85] =	vst v56  }
0x11f: {  	v51 =	vsel vm15, $0x1, v0;
	vm4 =	veq.s32 v48, v14;
	[tilespmem:s20+$0xFFFFFE80] =	vst v57  }
0x120: {  	vm9 =	veq.s32 v40, v17;
	v52 =	vsel vm4, $0x1, v0;
	[tilespmem:s20+$0x205] =	vst v51  }
0x121: {  	vm12 =	veq.s32 v39, v17;
	v58 =	vsel vm9, $0x1, v0;
	[tilespmem:s20+$0xFFFFFD80] =	vst v52  }
0x122: {  	vm14 =	veq.s32 v61, v17;
	v60 =	vsel vm12, $0x1, v0;
	[tilespmem:s20+$0x285] =	vst v58  }
0x123: {  	v50 =	vperm.xlane v37, v9;
	vm15 =	veq.s32 v41, v17;
	v62 =	vsel vm14, $0x1, v0;
	[tilespmem:s20+$0xFFFFFE05] =	vst v60  }
0x124: {  	vm5 =	veq.s32 v48, v17;
	v63 =	vsel vm15, $0x1, v0;
	[tilespmem:s20+$0x185] =	vst v62  }
0x125: {  	v53 =	vperm.xlane v37, v7;
	vm6 =	veq.s32 v50, v14;
	v54 =	vsel vm5, $0x1, v0;
	[tilespmem:s20+$0x105] =	vst v63  }
0x126: {  	vm7 =	veq.s32 v59, v17;
	v55 =	vsel vm6, $0x1, v0;
	[tilespmem:s20+$0xFFFFFD85] =	vst v54  }
0x127: {  	vm8 =	veq.s32 v53, v14;
	v56 =	vsel vm7, $0x1, v0;
	[tilespmem:s20+$0x80] =	vst v55  }
0x128: {  	vm13 =	veq.s32 v42, v17;
	v57 =	vsel vm8, $0x1, v0;
	[tilespmem:s20+$0x5] =	vst v56  }
.Ltmp10:
0x129: {  	vm10 =	veq.s32 v53, v17;
	v61 =	vsel vm13, $0x1, v0;
	[tilespmem:s20+$0xFFFFFF80] =	vst v57;
	(pc) =	sbr.rel .LBB2_11-.Ltmp10, $4  }
0x12a: {  	s19 =	smul.u32 $0x1900, s19;
	vm11 =	veq.s32 v50, v17;
	v37 =	vsel vm10, $0x1, v0;
	[tilespmem:s20+$0xFFFFFE85] =	vst v61  }
0x12b: {  	v59 =	vsel vm11, $0x1, v0;
	[tilespmem:s20+$0xFFFFFF85] =	vst v37  }
0x12c: {  	s19 =	sadd.s32 s6, s19;
	[tilespmem:s20+$0x85] =	vst v59  }
0x12d: {  	[hbm4b:s19+s4] =	stream.linear.scatter [tilespmem:s14], [sflag:$0x2], $0xC800, $0x38;
	[tilespmem:$0x19480] =	vst v63  }
.LBB2_13:
0x12e: {  	_ =	sfence.sel $0x180000  }
0x12f: {  	[bflag:$0x0] =	sbarrier.arrive $0xFFFF  }
0x130: {  	p0 =	sne.s32 s1, $0x0;
	_ =	strace $0x90000047  }
0x131: {  	s0 =	sadd.s32 @!p0 $0x100000, s0;
	[bflag:$0x2] =	sbarrier.arrive $0xFFFF  }
0x132: {  	[sflag:s0] =	ssyncadd.tile.s32 @!p0 $0x1;
	_ =	shalt  }
.Lfunc_end2:
_tile_overlayer_lowered:
.L_overlay_start_2:
0x133: {  	(tag) =	ssettag $0x2  }
0x134: {  	s0 =	rddreg [dreg:$0x0];
	s2 =	stileid.u32  }
0x135: {  	s1 =	rddreg [dreg:$0x1];
	p0 =	sne.s32 s2, $0x0  }
0x136: {  	s3 =	rddreg [dreg:$0x2];
	[bflag:$0x3] =	sbarrier.arrive $0xFFFF;
	s2 =	simm.s32 @!p0 $0x1C05  }
0x137: {  	[timem:s3], [sflag:s2] =	dma.local @!p0 [hbm:s0], s1  }
0x138: {  	s0 =	simm.s32 @!p0 $0x5  }
0x139: {  	_ =	swait.ge @!p0 [sflag:s0], s1  }
0x13a: {  	s1 =	ssub.s32 @!p0 $0x0, s1;
	[sflag:s0] =	ssyncset.done @!p0 $0x0  }
0x13b: {  	[sflag:s0] =	ssyncadd.s32 @!p0 s1  }
0x13c: {  	[bflag:$0x3] =	sbarrier.arrive $0xFFFF  }
0x13d: {  	_ =	shalt  }

</sc_bundles>
